<compile_context>
chip_gen: v7x
topology: tpu7x:2x2x1
jax: 0.10.2.dev20260603
libtpu: 0.0.44.dev20260713+nightly
codegen_flags: <defaults>
</compile_context>

<pallas_src>
import functools

import jax
import jax.numpy as jnp
import numpy as np
from jax import lax
from jax.experimental import pallas as pl
from jax.experimental.pallas import tpu as pltpu
from jax.experimental.pallas import tpu_sc as plsc

NUM_CLASSES = 8

_NC = 2
_NS = 16
_NW = _NC * _NS
_ROW = 256
_KROWS = 8


def _sc_segment_sum(x_ext, src2d, dst2d, zeros_init, n_pad, rows_per_w):
    rows_per_sub = n_pad // _NS
    n_chunks = rows_per_w // _KROWS
    mesh = plsc.VectorSubcoreMesh(core_axis_name="c", subcore_axis_name="s")

    @functools.partial(
        pl.kernel,
        mesh=mesh,
        out_type=jax.ShapeDtypeStruct((2 * n_pad, 8), jnp.float32),
        scratch_types=(
            [pltpu.VMEM((_KROWS, _ROW), jnp.int32)] * 4
            + [pltpu.VMEM((_ROW, 8), jnp.float32)] * (2 * _KROWS)
            + [pltpu.VMEM_SHARED((n_pad, 8), jnp.float32)]
            + [pltpu.SemaphoreType.DMA] * 6
        ),
        compiler_params=pltpu.CompilerParams(use_tc_tiling_on_sc=False),
    )
    def seg_kernel(x_hbm, src_hbm, dst_hbm, zer_hbm, out_hbm,
                   src_va, dst_va, src_vb, dst_vb, *rest):
        k2 = 2 * _KROWS
        bufs_a = rest[0:_KROWS]
        bufs_b = rest[_KROWS:k2]
        acc_sp = rest[k2]
        idx_sa, idx_sb, gsa, gsb, ssa, ssb = rest[k2 + 1:k2 + 7]
        cid = lax.axis_index("c")
        sid = lax.axis_index("s")
        wid = sid * _NC + cid

        pltpu.sync_copy(zer_hbm.at[pl.ds(sid * rows_per_sub, rows_per_sub)],
                        acc_sp.at[pl.ds(sid * rows_per_sub, rows_per_sub)])
        plsc.subcore_barrier()

        base0 = wid * rows_per_w

        def fire_idx(row0, sv, dv, sem):
            pltpu.async_copy(src_hbm.at[pl.ds(row0, _KROWS)], sv, sem)
            pltpu.async_copy(dst_hbm.at[pl.ds(row0, _KROWS)], dv, sem)

        def drain_idx(sv, dv, sem):
            pltpu.make_async_copy(src_hbm.at[pl.ds(0, _KROWS)], sv, sem).wait()
            pltpu.make_async_copy(dst_hbm.at[pl.ds(0, _KROWS)], dv, sem).wait()

        fire_idx(base0, src_va, dst_va, idx_sa)

        def pair(g, carry):
            row_a = base0 + (2 * g) * _KROWS
            drain_idx(src_va, dst_va, idx_sa)
            cb = []
            pltpu.async_copy(src_hbm.at[pl.ds(row_a + _KROWS, _KROWS)],
                             src_vb, idx_sb)
            pltpu.async_copy(dst_hbm.at[pl.ds(row_a + _KROWS, _KROWS)],
                             dst_vb, idx_sb)
            ga = [pltpu.async_copy(x_hbm.at[src_va.at[j]], bufs_a[j], gsa)
                  for j in range(_KROWS)]
            pltpu.make_async_copy(src_hbm.at[pl.ds(0, _KROWS)], src_vb,
                                  idx_sb).wait()
            pltpu.make_async_copy(src_hbm.at[pl.ds(0, _KROWS)], dst_vb,
                                  idx_sb).wait()
            gb = [pltpu.async_copy(x_hbm.at[src_vb.at[j]], bufs_b[j], gsb)
                  for j in range(_KROWS)]
            for cp in ga:
                cp.wait()
            sa = [pltpu.async_copy(bufs_a[j], acc_sp.at[dst_va.at[j]],
                                   ssa, add=True) for j in range(_KROWS)]
            for cp in gb:
                cp.wait()
            sb = [pltpu.async_copy(bufs_b[j], acc_sp.at[dst_vb.at[j]],
                                   ssb, add=True) for j in range(_KROWS)]
            for cp in sa:
                cp.wait()
            fire_idx(row_a + 2 * _KROWS, src_va, dst_va, idx_sa)
            for cp in sb:
                cp.wait()
            return carry

        lax.fori_loop(0, n_chunks // 2, pair, 0)
        drain_idx(src_va, dst_va, idx_sa)
        plsc.subcore_barrier()

        pltpu.sync_copy(
            acc_sp.at[pl.ds(sid * rows_per_sub, rows_per_sub)],
            out_hbm.at[pl.ds(cid * n_pad + sid * rows_per_sub, rows_per_sub)])

    return seg_kernel(x_ext, src2d, dst2d, zeros_init)


def _tc_head(partials, nfp, w1a, w1b, b1r, w2p, b2p, n_pad, blk):
    grid = (n_pad // blk,)

    def head_kernel(p_ref, nf_ref, w1a_ref, w1b_ref, b1_ref, w2_ref, b2_ref,
                    out_ref):
        s = p_ref[0] + p_ref[1]
        deg = jnp.maximum(s[:, 2:3], 1.0)
        agg4 = s / deg
        nf = nf_ref[...]
        hid = jnp.tanh(
            jnp.dot(nf, w1a_ref[...], preferred_element_type=jnp.float32)
            + jnp.dot(agg4, w1b_ref[...], preferred_element_type=jnp.float32)
            + b1_ref[...])
        o = jnp.dot(hid, w2_ref[...], preferred_element_type=jnp.float32) \
            + b2_ref[...]
        mu = jnp.arctan2(o[:, 0:1], o[:, 1:2])
        ang = jnp.mod(mu, 2.0 * np.pi)
        bin_size = 2.0 * np.pi / NUM_CLASSES
        cid = jnp.clip(jnp.floor(ang / bin_size), 0, NUM_CLASSES - 1)
        cid = cid.astype(jnp.int32)
        col = lax.broadcasted_iota(jnp.int32, (blk, NUM_CLASSES), 1)
        out_ref[...] = jnp.where(col == cid, 0.0, -1000.0)

    return pl.pallas_call(
        head_kernel,
        grid=grid,
        in_specs=[
            pl.BlockSpec((2, blk, 8), lambda i: (0, i, 0)),
            pl.BlockSpec((blk, 4), lambda i: (i, 0)),
            pl.BlockSpec((4, 32), lambda i: (0, 0)),
            pl.BlockSpec((8, 32), lambda i: (0, 0)),
            pl.BlockSpec((1, 32), lambda i: (0, 0)),
            pl.BlockSpec((32, NUM_CLASSES), lambda i: (0, 0)),
            pl.BlockSpec((1, NUM_CLASSES), lambda i: (0, 0)),
        ],
        out_specs=pl.BlockSpec((blk, NUM_CLASSES), lambda i: (i, 0)),
        out_shape=jax.ShapeDtypeStruct((n_pad, NUM_CLASSES), jnp.float32),
    )(partials, nfp, w1a, w1b, b1r, w2p, b2p)


def kernel(node_features, edge_index, W1, b1, W2, b2):
    n = node_features.shape[0]
    e = edge_index.shape[1]
    f32 = jnp.float32

    blk = 2048
    n_pad = ((n + blk - 1) // blk) * blk
    chunk_edges = _NW * _KROWS * _ROW
    e_pad = ((e + chunk_edges - 1) // chunk_edges) * chunk_edges
    r = e_pad // _ROW
    rows_per_w = r // _NW

    ones = jnp.ones((n, 1), f32)
    x_ext = jnp.concatenate([node_features[:, 1:3], ones,
                             jnp.zeros((n, 5), f32)], axis=1)
    x_ext = jnp.pad(x_ext, ((0, n_pad - n), (0, 0)))
    ep = jnp.pad(edge_index, ((0, 0), (0, e_pad - e)), constant_values=n)
    src2d = jnp.pad(ep[0].reshape(r, _ROW), ((0, _KROWS), (0, 0)))
    dst2d = jnp.pad(ep[1].reshape(r, _ROW), ((0, _KROWS), (0, 0)))
    zeros_init = jnp.zeros((n_pad, 8), f32)

    partials = _sc_segment_sum(x_ext, src2d, dst2d, zeros_init,
                               n_pad, rows_per_w)
    partials = partials.reshape(2, n_pad, 8)

    nfp = jnp.pad(node_features, ((0, n_pad - n), (0, 1)))
    w1a = jnp.concatenate([W1[0:3], jnp.zeros((1, 32), f32)], axis=0)
    w1b = jnp.concatenate([W1[3:5], jnp.zeros((6, 32), f32)], axis=0)
    b1r = b1.reshape(1, 32)
    w2p = jnp.concatenate([W2[:, 0:2],
                           jnp.zeros((32, NUM_CLASSES - 2), f32)], axis=1)
    b2p = jnp.concatenate([b2[0:2],
                           jnp.zeros((NUM_CLASSES - 2,), f32)]).reshape(1, -1)

    logits = _tc_head(partials, nfp, w1a, w1b, b1r, w2p, b2p, n_pad, blk)
    return logits[:n]

# --- scband reference (transcript-rebuilt; emitter-appended) ---
"""Pipeline reference for scband-direction-classification-wrapper-33174327394536 (READ-ONLY COPY).

The authoritative reference and input builder live on the scoring server;
editing this copy changes nothing except your own understanding.
"""

import jax, jax.numpy as jnp
import numpy as np

N = 100000
E = 6400000
NUM_CLASSES = 8
NUM_PROPERTIES = 1
HIDDEN = 32


def setup_inputs(seed: int = 0) -> dict:
    key = jax.random.key(seed)
    k1, k2, k3, k4 = jax.random.split(key, 4)
    node_features = jax.random.normal(k1, (N, 3), dtype=jnp.float32)
    edge_index = jax.random.randint(k2, (2, E), 0, N, dtype=jnp.int32)
    W1 = jax.random.normal(k3, (5, HIDDEN), dtype=jnp.float32) * 0.1
    b1 = jnp.zeros((HIDDEN,), dtype=jnp.float32)
    W2 = jax.random.normal(k4, (HIDDEN, 3), dtype=jnp.float32) * 0.1
    b2 = jnp.zeros((3,), dtype=jnp.float32)
    return {"node_features": node_features, "edge_index": edge_index,
            "W1": W1, "b1": b1, "W2": W2, "b2": b2}


def _inner_model(h, x, edge_index, W1, b1, W2, b2):
    # surrogate for self.model: mean-aggregate neighbor coords, MLP -> (mu, kappa)
    src = edge_index[0]
    dst = edge_index[1]
    msg = x[src]  # gather [E, 2]
    agg = jax.ops.segment_sum(msg, dst, num_segments=N)  # scatter-add
    deg = jax.ops.segment_sum(jnp.ones((E,), jnp.float32), dst, num_segments=N)
    agg = agg / jnp.maximum(deg, 1.0)[:, None]
    feat = jnp.concatenate([h, x, agg], axis=-1)  # [N, 5]
    hid = jnp.tanh(feat @ W1 + b1)
    out = hid @ W2 + b2  # [N, 3]
    mu = jnp.arctan2(out[:, 0:1], out[:, 1:2])  # signed angle in [-pi, pi], [N, 1]
    kappa = jax.nn.softplus(out[:, 2:3])
    return mu, kappa


def signed_to_unsigned_angle(mu):
    return jnp.mod(mu, 2.0 * np.pi)


def reference(node_features, edge_index, W1, b1, W2, b2):
    h = node_features[:, :NUM_PROPERTIES]
    x = node_features[:, NUM_PROPERTIES:NUM_PROPERTIES + 2]
    mu, kappa = _inner_model(h, x, edge_index, W1, b1, W2, b2)
    angles = signed_to_unsigned_angle(mu)  # [0, 2pi)
    bin_size = 2.0 * np.pi / NUM_CLASSES
    class_ids = jnp.floor(angles / bin_size).astype(jnp.int32)
    class_ids = jnp.clip(class_ids, 0, NUM_CLASSES - 1)
    class_ids = class_ids.squeeze(-1)  # [N]
    logits = jnp.full((mu.shape[0], NUM_CLASSES), -1000.0, dtype=jnp.float32)
    logits = logits.at[jnp.arange(mu.shape[0]), class_ids].set(0.0)
    return logits

if __name__ == "__main__":
    import jax
    _d = setup_inputs()
    print(jax.jit(kernel)(*tuple(_d.values())))

</pallas_src>

<mosaic_0001>
#map = affine_map<(d0, d1) -> (0, 0)>
module attributes {stable_mosaic.version = 14 : i64} {
  func.func @seg_kernel(%arg0: i32, %arg1: i32, %arg2: memref<100352x8xf32, #tpu.memory_space<hbm>>, %arg3: memref<25096x256xi32, #tpu.memory_space<hbm>>, %arg4: memref<25096x256xi32, #tpu.memory_space<hbm>>, %arg5: memref<100352x8xf32, #tpu.memory_space<hbm>>, %arg6: memref<200704x8xf32, #tpu.memory_space<hbm>>, %arg7: memref<8x256xi32, #tpu.memory_space<vmem>>, %arg8: memref<8x256xi32, #tpu.memory_space<vmem>>, %arg9: memref<8x256xi32, #tpu.memory_space<vmem>>, %arg10: memref<8x256xi32, #tpu.memory_space<vmem>>, %arg11: memref<256x8xf32, #tpu.memory_space<vmem>>, %arg12: memref<256x8xf32, #tpu.memory_space<vmem>>, %arg13: memref<256x8xf32, #tpu.memory_space<vmem>>, %arg14: memref<256x8xf32, #tpu.memory_space<vmem>>, %arg15: memref<256x8xf32, #tpu.memory_space<vmem>>, %arg16: memref<256x8xf32, #tpu.memory_space<vmem>>, %arg17: memref<256x8xf32, #tpu.memory_space<vmem>>, %arg18: memref<256x8xf32, #tpu.memory_space<vmem>>, %arg19: memref<256x8xf32, #tpu.memory_space<vmem>>, %arg20: memref<256x8xf32, #tpu.memory_space<vmem>>, %arg21: memref<256x8xf32, #tpu.memory_space<vmem>>, %arg22: memref<256x8xf32, #tpu.memory_space<vmem>>, %arg23: memref<256x8xf32, #tpu.memory_space<vmem>>, %arg24: memref<256x8xf32, #tpu.memory_space<vmem>>, %arg25: memref<256x8xf32, #tpu.memory_space<vmem>>, %arg26: memref<256x8xf32, #tpu.memory_space<vmem>>, %arg27: memref<100352x8xf32, #tpu.memory_space<vmem_shared>>, %arg28: memref<!tpu.dma_semaphore, #tpu.memory_space<semaphore_mem>>, %arg29: memref<!tpu.dma_semaphore, #tpu.memory_space<semaphore_mem>>, %arg30: memref<!tpu.dma_semaphore, #tpu.memory_space<semaphore_mem>>, %arg31: memref<!tpu.dma_semaphore, #tpu.memory_space<semaphore_mem>>, %arg32: memref<!tpu.dma_semaphore, #tpu.memory_space<semaphore_mem>>, %arg33: memref<!tpu.dma_semaphore, #tpu.memory_space<semaphore_mem>>) attributes {dimension_semantics = [#tpu.dimension_semantics<core_parallel>, #tpu.dimension_semantics<subcore_parallel>], iteration_bounds = array<i64: 2, 16>, scalar_prefetch = 0 : i64, scratch_operands = 27 : i64, tpu.core_type = #tpu.core_type<sc_vector_subcore>, window_params = [{transform_indices = #map}, {transform_indices = #map}, {transform_indices = #map}, {transform_indices = #map}, {transform_indices = #map}]} {
    %mul3A = arith.constant 2 : i32
    %mul3A_0 = arith.muli %arg1, %mul3A : i32
    %add3A = arith.addi %mul3A_0, %arg0 : i32
    %mul3A_1 = arith.constant 6272 : i32
    %mul3A_2 = arith.muli %arg1, %mul3A_1 : i32
    %mul3A_3 = arith.constant 6272 : i32
    %mul3A_4 = arith.muli %arg1, %mul3A_3 : i32
    "tpu.region"() ({
      %run_scoped3A = tpu.sem_alloc : memref<!tpu.dma_semaphore, #tpu.memory_space<semaphore_mem>>
      %dma_start3A_38 = arith.constant 0 : i32
      %dma_start3A_39 = tpu.memref_slice %arg27[%mul3A_4, %dma_start3A_38] : memref<100352x8xf32, #tpu.memory_space<vmem_shared>> -> memref<6272x8xf32, #tpu.memory_space<vmem_shared>>
      %dma_start3A_40 = arith.constant 0 : i32
      %dma_start3A_41 = tpu.memref_slice %arg5[%mul3A_2, %dma_start3A_40] : memref<100352x8xf32, #tpu.memory_space<hbm>> -> memref<6272x8xf32, #tpu.memory_space<hbm>>
      tpu.enqueue_dma source(%dma_start3A_41 : memref<6272x8xf32, #tpu.memory_space<hbm>>) target(%dma_start3A_39 : memref<6272x8xf32, #tpu.memory_space<vmem_shared>>) target_semaphore(%run_scoped3A : memref<!tpu.dma_semaphore, #tpu.memory_space<semaphore_mem>>)
      %dma_wait3A_42 = arith.constant 0 : i32
      %dma_wait3A_43 = tpu.memref_slice %arg27[%mul3A_4, %dma_wait3A_42] : memref<100352x8xf32, #tpu.memory_space<vmem_shared>> -> memref<6272x8xf32, #tpu.memory_space<vmem_shared>>
      %dma_wait3A_44 = arith.constant 0 : i32
      %dma_wait3A_45 = tpu.memref_slice %arg5[%mul3A_2, %dma_wait3A_44] : memref<100352x8xf32, #tpu.memory_space<hbm>> -> memref<6272x8xf32, #tpu.memory_space<hbm>>
      tpu.wait_dma2 semaphore(%run_scoped3A : memref<!tpu.dma_semaphore, #tpu.memory_space<semaphore_mem>>) src(%dma_wait3A_45 : memref<6272x8xf32, #tpu.memory_space<hbm>>) dst(%dma_wait3A_43 : memref<6272x8xf32, #tpu.memory_space<vmem_shared>>)
      tpu.yield
    }) : () -> ()
    %barrier3A = arith.constant 0 : index
    tpu.barrier barrier_id(%barrier3A)
    %mul3A_5 = arith.constant 784 : i32
    %mul3A_6 = arith.muli %add3A, %mul3A_5 : i32
    %dma_start3A = arith.constant 0 : i32
    %dma_start3A_7 = tpu.memref_slice %arg3[%mul3A_6, %dma_start3A] : memref<25096x256xi32, #tpu.memory_space<hbm>> -> memref<8x256xi32, #tpu.memory_space<hbm>>
    %dma_start3A_8 = arith.constant 0 : i32
    %dma_start3A_9 = tpu.memref_slice %arg3[%mul3A_6, %dma_start3A_8] : memref<25096x256xi32, #tpu.memory_space<hbm>> -> memref<8x256xi32, #tpu.memory_space<hbm>>
    tpu.enqueue_dma source(%dma_start3A_9 : memref<8x256xi32, #tpu.memory_space<hbm>>) target(%arg7 : memref<8x256xi32, #tpu.memory_space<vmem>>) target_semaphore(%arg28 : memref<!tpu.dma_semaphore, #tpu.memory_space<semaphore_mem>>)
    %dma_start3A_10 = arith.constant 0 : i32
    %dma_start3A_11 = tpu.memref_slice %arg4[%mul3A_6, %dma_start3A_10] : memref<25096x256xi32, #tpu.memory_space<hbm>> -> memref<8x256xi32, #tpu.memory_space<hbm>>
    %dma_start3A_12 = arith.constant 0 : i32
    %dma_start3A_13 = tpu.memref_slice %arg4[%mul3A_6, %dma_start3A_12] : memref<25096x256xi32, #tpu.memory_space<hbm>> -> memref<8x256xi32, #tpu.memory_space<hbm>>
    tpu.enqueue_dma source(%dma_start3A_13 : memref<8x256xi32, #tpu.memory_space<hbm>>) target(%arg8 : memref<8x256xi32, #tpu.memory_space<vmem>>) target_semaphore(%arg28 : memref<!tpu.dma_semaphore, #tpu.memory_space<semaphore_mem>>)
    %scan3A = arith.constant 0 : i32
    %scan3A_14 = arith.constant 0 : i32
    %scan3A_15 = arith.constant 49 : i32
    %scan3A_16 = arith.addi %scan3A_14, %scan3A_15 : i32
    %scan3A_17 = arith.constant 1 : i32
    scf.for %scan3A_38 = %scan3A_14 to %scan3A_16 step %scan3A_17  : i32 {
      %mul3A_39 = arith.constant 2 : i32
      %mul3A_40 = arith.muli %mul3A_39, %scan3A_38 : i32
      %mul3A_41 = arith.constant 8 : i32
      %mul3A_42 = arith.muli %mul3A_40, %mul3A_41 : i32
      %add3A_43 = arith.addi %mul3A_6, %mul3A_42 : i32
      %dma_wait3A_44 = arith.constant 0 : i32
      %dma_wait3A_45 = arith.constant 0 : i32
      %dma_wait3A_46 = tpu.memref_slice %arg3[%dma_wait3A_44, %dma_wait3A_45] : memref<25096x256xi32, #tpu.memory_space<hbm>> -> memref<8x256xi32, #tpu.memory_space<hbm>>
      %dma_wait3A_47 = arith.constant 0 : i32
      %dma_wait3A_48 = arith.constant 0 : i32
      %dma_wait3A_49 = tpu.memref_slice %arg3[%dma_wait3A_47, %dma_wait3A_48] : memref<25096x256xi32, #tpu.memory_space<hbm>> -> memref<8x256xi32, #tpu.memory_space<hbm>>
      tpu.wait_dma2 semaphore(%arg28 : memref<!tpu.dma_semaphore, #tpu.memory_space<semaphore_mem>>) src(%dma_wait3A_49 : memref<8x256xi32, #tpu.memory_space<hbm>>) dst(%arg7 : memref<8x256xi32, #tpu.memory_space<vmem>>)
      %dma_wait3A_50 = arith.constant 0 : i32
      %dma_wait3A_51 = arith.constant 0 : i32
      %dma_wait3A_52 = tpu.memref_slice %arg4[%dma_wait3A_50, %dma_wait3A_51] : memref<25096x256xi32, #tpu.memory_space<hbm>> -> memref<8x256xi32, #tpu.memory_space<hbm>>
      %dma_wait3A_53 = arith.constant 0 : i32
      %dma_wait3A_54 = arith.constant 0 : i32
      %dma_wait3A_55 = tpu.memref_slice %arg4[%dma_wait3A_53, %dma_wait3A_54] : memref<25096x256xi32, #tpu.memory_space<hbm>> -> memref<8x256xi32, #tpu.memory_space<hbm>>
      tpu.wait_dma2 semaphore(%arg28 : memref<!tpu.dma_semaphore, #tpu.memory_space<semaphore_mem>>) src(%dma_wait3A_55 : memref<8x256xi32, #tpu.memory_space<hbm>>) dst(%arg8 : memref<8x256xi32, #tpu.memory_space<vmem>>)
      %add3A_56 = arith.constant 8 : i32
      %add3A_57 = arith.addi %add3A_43, %add3A_56 : i32
      %dma_start3A_58 = arith.constant 0 : i32
      %dma_start3A_59 = tpu.memref_slice %arg3[%add3A_57, %dma_start3A_58] : memref<25096x256xi32, #tpu.memory_space<hbm>> -> memref<8x256xi32, #tpu.memory_space<hbm>>
      %dma_start3A_60 = arith.constant 0 : i32
      %dma_start3A_61 = tpu.memref_slice %arg3[%add3A_57, %dma_start3A_60] : memref<25096x256xi32, #tpu.memory_space<hbm>> -> memref<8x256xi32, #tpu.memory_space<hbm>>
      tpu.enqueue_dma source(%dma_start3A_61 : memref<8x256xi32, #tpu.memory_space<hbm>>) target(%arg9 : memref<8x256xi32, #tpu.memory_space<vmem>>) target_semaphore(%arg29 : memref<!tpu.dma_semaphore, #tpu.memory_space<semaphore_mem>>)
      %add3A_62 = arith.constant 8 : i32
      %add3A_63 = arith.addi %add3A_43, %add3A_62 : i32
      %dma_start3A_64 = arith.constant 0 : i32
      %dma_start3A_65 = tpu.memref_slice %arg4[%add3A_63, %dma_start3A_64] : memref<25096x256xi32, #tpu.memory_space<hbm>> -> memref<8x256xi32, #tpu.memory_space<hbm>>
      %dma_start3A_66 = arith.constant 0 : i32
      %dma_start3A_67 = tpu.memref_slice %arg4[%add3A_63, %dma_start3A_66] : memref<25096x256xi32, #tpu.memory_space<hbm>> -> memref<8x256xi32, #tpu.memory_space<hbm>>
      tpu.enqueue_dma source(%dma_start3A_67 : memref<8x256xi32, #tpu.memory_space<hbm>>) target(%arg10 : memref<8x256xi32, #tpu.memory_space<vmem>>) target_semaphore(%arg29 : memref<!tpu.dma_semaphore, #tpu.memory_space<semaphore_mem>>)
      %dma_start3A_68 = arith.constant 0 : i32
      %dma_start3A_69 = arith.constant 0 : i32
      %dma_start3A_70 = tpu.memref_slice %arg7[%dma_start3A_68, %dma_start3A_69] : memref<8x256xi32, #tpu.memory_space<vmem>> -> memref<1x256xi32, #tpu.memory_space<vmem>>
      %dma_start3A_71 = tpu.memref_squeeze %dma_start3A_70 : memref<1x256xi32, #tpu.memory_space<vmem>> -> memref<256xi32, #tpu.memory_space<vmem>>
      %dma_start3A_72 = arith.constant 0 : i32
      %dma_start3A_73 = arith.constant 0 : i32
      %dma_start3A_74 = tpu.memref_slice %arg2[%dma_start3A_72, %dma_start3A_73] : memref<100352x8xf32, #tpu.memory_space<hbm>> -> memref<100352x8xf32, #tpu.memory_space<hbm>>
      tpu.enqueue_indirect_dma source(%dma_start3A_74 : memref<100352x8xf32, #tpu.memory_space<hbm>>) target(%arg11 : memref<256x8xf32, #tpu.memory_space<vmem>>) offsets(%dma_start3A_71 : memref<256xi32, #tpu.memory_space<vmem>>) semaphore(%arg30 : memref<!tpu.dma_semaphore, #tpu.memory_space<semaphore_mem>>)
      %dma_start3A_75 = arith.constant 1 : i32
      %dma_start3A_76 = arith.constant 0 : i32
      %dma_start3A_77 = tpu.memref_slice %arg7[%dma_start3A_75, %dma_start3A_76] : memref<8x256xi32, #tpu.memory_space<vmem>> -> memref<1x256xi32, #tpu.memory_space<vmem>>
      %dma_start3A_78 = tpu.memref_squeeze %dma_start3A_77 : memref<1x256xi32, #tpu.memory_space<vmem>> -> memref<256xi32, #tpu.memory_space<vmem>>
      %dma_start3A_79 = arith.constant 0 : i32
      %dma_start3A_80 = arith.constant 0 : i32
      %dma_start3A_81 = tpu.memref_slice %arg2[%dma_start3A_79, %dma_start3A_80] : memref<100352x8xf32, #tpu.memory_space<hbm>> -> memref<100352x8xf32, #tpu.memory_space<hbm>>
      tpu.enqueue_indirect_dma source(%dma_start3A_81 : memref<100352x8xf32, #tpu.memory_space<hbm>>) target(%arg12 : memref<256x8xf32, #tpu.memory_space<vmem>>) offsets(%dma_start3A_78 : memref<256xi32, #tpu.memory_space<vmem>>) semaphore(%arg30 : memref<!tpu.dma_semaphore, #tpu.memory_space<semaphore_mem>>)
      %dma_start3A_82 = arith.constant 2 : i32
      %dma_start3A_83 = arith.constant 0 : i32
      %dma_start3A_84 = tpu.memref_slice %arg7[%dma_start3A_82, %dma_start3A_83] : memref<8x256xi32, #tpu.memory_space<vmem>> -> memref<1x256xi32, #tpu.memory_space<vmem>>
      %dma_start3A_85 = tpu.memref_squeeze %dma_start3A_84 : memref<1x256xi32, #tpu.memory_space<vmem>> -> memref<256xi32, #tpu.memory_space<vmem>>
      %dma_start3A_86 = arith.constant 0 : i32
      %dma_start3A_87 = arith.constant 0 : i32
      %dma_start3A_88 = tpu.memref_slice %arg2[%dma_start3A_86, %dma_start3A_87] : memref<100352x8xf32, #tpu.memory_space<hbm>> -> memref<100352x8xf32, #tpu.memory_space<hbm>>
      tpu.enqueue_indirect_dma source(%dma_start3A_88 : memref<100352x8xf32, #tpu.memory_space<hbm>>) target(%arg13 : memref<256x8xf32, #tpu.memory_space<vmem>>) offsets(%dma_start3A_85 : memref<256xi32, #tpu.memory_space<vmem>>) semaphore(%arg30 : memref<!tpu.dma_semaphore, #tpu.memory_space<semaphore_mem>>)
      %dma_start3A_89 = arith.constant 3 : i32
      %dma_start3A_90 = arith.constant 0 : i32
      %dma_start3A_91 = tpu.memref_slice %arg7[%dma_start3A_89, %dma_start3A_90] : memref<8x256xi32, #tpu.memory_space<vmem>> -> memref<1x256xi32, #tpu.memory_space<vmem>>
      %dma_start3A_92 = tpu.memref_squeeze %dma_start3A_91 : memref<1x256xi32, #tpu.memory_space<vmem>> -> memref<256xi32, #tpu.memory_space<vmem>>
      %dma_start3A_93 = arith.constant 0 : i32
      %dma_start3A_94 = arith.constant 0 : i32
      %dma_start3A_95 = tpu.memref_slice %arg2[%dma_start3A_93, %dma_start3A_94] : memref<100352x8xf32, #tpu.memory_space<hbm>> -> memref<100352x8xf32, #tpu.memory_space<hbm>>
      tpu.enqueue_indirect_dma source(%dma_start3A_95 : memref<100352x8xf32, #tpu.memory_space<hbm>>) target(%arg14 : memref<256x8xf32, #tpu.memory_space<vmem>>) offsets(%dma_start3A_92 : memref<256xi32, #tpu.memory_space<vmem>>) semaphore(%arg30 : memref<!tpu.dma_semaphore, #tpu.memory_space<semaphore_mem>>)
      %dma_start3A_96 = arith.constant 4 : i32
      %dma_start3A_97 = arith.constant 0 : i32
      %dma_start3A_98 = tpu.memref_slice %arg7[%dma_start3A_96, %dma_start3A_97] : memref<8x256xi32, #tpu.memory_space<vmem>> -> memref<1x256xi32, #tpu.memory_space<vmem>>
      %dma_start3A_99 = tpu.memref_squeeze %dma_start3A_98 : memref<1x256xi32, #tpu.memory_space<vmem>> -> memref<256xi32, #tpu.memory_space<vmem>>
      %dma_start3A_100 = arith.constant 0 : i32
      %dma_start3A_101 = arith.constant 0 : i32
      %dma_start3A_102 = tpu.memref_slice %arg2[%dma_start3A_100, %dma_start3A_101] : memref<100352x8xf32, #tpu.memory_space<hbm>> -> memref<100352x8xf32, #tpu.memory_space<hbm>>
      tpu.enqueue_indirect_dma source(%dma_start3A_102 : memref<100352x8xf32, #tpu.memory_space<hbm>>) target(%arg15 : memref<256x8xf32, #tpu.memory_space<vmem>>) offsets(%dma_start3A_99 : memref<256xi32, #tpu.memory_space<vmem>>) semaphore(%arg30 : memref<!tpu.dma_semaphore, #tpu.memory_space<semaphore_mem>>)
      %dma_start3A_103 = arith.constant 5 : i32
      %dma_start3A_104 = arith.constant 0 : i32
      %dma_start3A_105 = tpu.memref_slice %arg7[%dma_start3A_103, %dma_start3A_104] : memref<8x256xi32, #tpu.memory_space<vmem>> -> memref<1x256xi32, #tpu.memory_space<vmem>>
      %dma_start3A_106 = tpu.memref_squeeze %dma_start3A_105 : memref<1x256xi32, #tpu.memory_space<vmem>> -> memref<256xi32, #tpu.memory_space<vmem>>
      %dma_start3A_107 = arith.constant 0 : i32
      %dma_start3A_108 = arith.constant 0 : i32
      %dma_start3A_109 = tpu.memref_slice %arg2[%dma_start3A_107, %dma_start3A_108] : memref<100352x8xf32, #tpu.memory_space<hbm>> -> memref<100352x8xf32, #tpu.memory_space<hbm>>
      tpu.enqueue_indirect_dma source(%dma_start3A_109 : memref<100352x8xf32, #tpu.memory_space<hbm>>) target(%arg16 : memref<256x8xf32, #tpu.memory_space<vmem>>) offsets(%dma_start3A_106 : memref<256xi32, #tpu.memory_space<vmem>>) semaphore(%arg30 : memref<!tpu.dma_semaphore, #tpu.memory_space<semaphore_mem>>)
      %dma_start3A_110 = arith.constant 6 : i32
      %dma_start3A_111 = arith.constant 0 : i32
      %dma_start3A_112 = tpu.memref_slice %arg7[%dma_start3A_110, %dma_start3A_111] : memref<8x256xi32, #tpu.memory_space<vmem>> -> memref<1x256xi32, #tpu.memory_space<vmem>>
      %dma_start3A_113 = tpu.memref_squeeze %dma_start3A_112 : memref<1x256xi32, #tpu.memory_space<vmem>> -> memref<256xi32, #tpu.memory_space<vmem>>
      %dma_start3A_114 = arith.constant 0 : i32
      %dma_start3A_115 = arith.constant 0 : i32
      %dma_start3A_116 = tpu.memref_slice %arg2[%dma_start3A_114, %dma_start3A_115] : memref<100352x8xf32, #tpu.memory_space<hbm>> -> memref<100352x8xf32, #tpu.memory_space<hbm>>
      tpu.enqueue_indirect_dma source(%dma_start3A_116 : memref<100352x8xf32, #tpu.memory_space<hbm>>) target(%arg17 : memref<256x8xf32, #tpu.memory_space<vmem>>) offsets(%dma_start3A_113 : memref<256xi32, #tpu.memory_space<vmem>>) semaphore(%arg30 : memref<!tpu.dma_semaphore, #tpu.memory_space<semaphore_mem>>)
      %dma_start3A_117 = arith.constant 7 : i32
      %dma_start3A_118 = arith.constant 0 : i32
      %dma_start3A_119 = tpu.memref_slice %arg7[%dma_start3A_117, %dma_start3A_118] : memref<8x256xi32, #tpu.memory_space<vmem>> -> memref<1x256xi32, #tpu.memory_space<vmem>>
      %dma_start3A_120 = tpu.memref_squeeze %dma_start3A_119 : memref<1x256xi32, #tpu.memory_space<vmem>> -> memref<256xi32, #tpu.memory_space<vmem>>
      %dma_start3A_121 = arith.constant 0 : i32
      %dma_start3A_122 = arith.constant 0 : i32
      %dma_start3A_123 = tpu.memref_slice %arg2[%dma_start3A_121, %dma_start3A_122] : memref<100352x8xf32, #tpu.memory_space<hbm>> -> memref<100352x8xf32, #tpu.memory_space<hbm>>
      tpu.enqueue_indirect_dma source(%dma_start3A_123 : memref<100352x8xf32, #tpu.memory_space<hbm>>) target(%arg18 : memref<256x8xf32, #tpu.memory_space<vmem>>) offsets(%dma_start3A_120 : memref<256xi32, #tpu.memory_space<vmem>>) semaphore(%arg30 : memref<!tpu.dma_semaphore, #tpu.memory_space<semaphore_mem>>)
      %dma_wait3A_124 = arith.constant 0 : i32
      %dma_wait3A_125 = arith.constant 0 : i32
      %dma_wait3A_126 = tpu.memref_slice %arg3[%dma_wait3A_124, %dma_wait3A_125] : memref<25096x256xi32, #tpu.memory_space<hbm>> -> memref<8x256xi32, #tpu.memory_space<hbm>>
      %dma_wait3A_127 = arith.constant 0 : i32
      %dma_wait3A_128 = arith.constant 0 : i32
      %dma_wait3A_129 = tpu.memref_slice %arg3[%dma_wait3A_127, %dma_wait3A_128] : memref<25096x256xi32, #tpu.memory_space<hbm>> -> memref<8x256xi32, #tpu.memory_space<hbm>>
      tpu.wait_dma2 semaphore(%arg29 : memref<!tpu.dma_semaphore, #tpu.memory_space<semaphore_mem>>) src(%dma_wait3A_129 : memref<8x256xi32, #tpu.memory_space<hbm>>) dst(%arg9 : memref<8x256xi32, #tpu.memory_space<vmem>>)
      %dma_wait3A_130 = arith.constant 0 : i32
      %dma_wait3A_131 = arith.constant 0 : i32
      %dma_wait3A_132 = tpu.memref_slice %arg3[%dma_wait3A_130, %dma_wait3A_131] : memref<25096x256xi32, #tpu.memory_space<hbm>> -> memref<8x256xi32, #tpu.memory_space<hbm>>
      %dma_wait3A_133 = arith.constant 0 : i32
      %dma_wait3A_134 = arith.constant 0 : i32
      %dma_wait3A_135 = tpu.memref_slice %arg3[%dma_wait3A_133, %dma_wait3A_134] : memref<25096x256xi32, #tpu.memory_space<hbm>> -> memref<8x256xi32, #tpu.memory_space<hbm>>
      tpu.wait_dma2 semaphore(%arg29 : memref<!tpu.dma_semaphore, #tpu.memory_space<semaphore_mem>>) src(%dma_wait3A_135 : memref<8x256xi32, #tpu.memory_space<hbm>>) dst(%arg10 : memref<8x256xi32, #tpu.memory_space<vmem>>)
      %dma_start3A_136 = arith.constant 0 : i32
      %dma_start3A_137 = arith.constant 0 : i32
      %dma_start3A_138 = tpu.memref_slice %arg9[%dma_start3A_136, %dma_start3A_137] : memref<8x256xi32, #tpu.memory_space<vmem>> -> memref<1x256xi32, #tpu.memory_space<vmem>>
      %dma_start3A_139 = tpu.memref_squeeze %dma_start3A_138 : memref<1x256xi32, #tpu.memory_space<vmem>> -> memref<256xi32, #tpu.memory_space<vmem>>
      %dma_start3A_140 = arith.constant 0 : i32
      %dma_start3A_141 = arith.constant 0 : i32
      %dma_start3A_142 = tpu.memref_slice %arg2[%dma_start3A_140, %dma_start3A_141] : memref<100352x8xf32, #tpu.memory_space<hbm>> -> memref<100352x8xf32, #tpu.memory_space<hbm>>
      tpu.enqueue_indirect_dma source(%dma_start3A_142 : memref<100352x8xf32, #tpu.memory_space<hbm>>) target(%arg19 : memref<256x8xf32, #tpu.memory_space<vmem>>) offsets(%dma_start3A_139 : memref<256xi32, #tpu.memory_space<vmem>>) semaphore(%arg31 : memref<!tpu.dma_semaphore, #tpu.memory_space<semaphore_mem>>)
      %dma_start3A_143 = arith.constant 1 : i32
      %dma_start3A_144 = arith.constant 0 : i32
      %dma_start3A_145 = tpu.memref_slice %arg9[%dma_start3A_143, %dma_start3A_144] : memref<8x256xi32, #tpu.memory_space<vmem>> -> memref<1x256xi32, #tpu.memory_space<vmem>>
      %dma_start3A_146 = tpu.memref_squeeze %dma_start3A_145 : memref<1x256xi32, #tpu.memory_space<vmem>> -> memref<256xi32, #tpu.memory_space<vmem>>
      %dma_start3A_147 = arith.constant 0 : i32
      %dma_start3A_148 = arith.constant 0 : i32
      %dma_start3A_149 = tpu.memref_slice %arg2[%dma_start3A_147, %dma_start3A_148] : memref<100352x8xf32, #tpu.memory_space<hbm>> -> memref<100352x8xf32, #tpu.memory_space<hbm>>
      tpu.enqueue_indirect_dma source(%dma_start3A_149 : memref<100352x8xf32, #tpu.memory_space<hbm>>) target(%arg20 : memref<256x8xf32, #tpu.memory_space<vmem>>) offsets(%dma_start3A_146 : memref<256xi32, #tpu.memory_space<vmem>>) semaphore(%arg31 : memref<!tpu.dma_semaphore, #tpu.memory_space<semaphore_mem>>)
      %dma_start3A_150 = arith.constant 2 : i32
      %dma_start3A_151 = arith.constant 0 : i32
      %dma_start3A_152 = tpu.memref_slice %arg9[%dma_start3A_150, %dma_start3A_151] : memref<8x256xi32, #tpu.memory_space<vmem>> -> memref<1x256xi32, #tpu.memory_space<vmem>>
      %dma_start3A_153 = tpu.memref_squeeze %dma_start3A_152 : memref<1x256xi32, #tpu.memory_space<vmem>> -> memref<256xi32, #tpu.memory_space<vmem>>
      %dma_start3A_154 = arith.constant 0 : i32
      %dma_start3A_155 = arith.constant 0 : i32
      %dma_start3A_156 = tpu.memref_slice %arg2[%dma_start3A_154, %dma_start3A_155] : memref<100352x8xf32, #tpu.memory_space<hbm>> -> memref<100352x8xf32, #tpu.memory_space<hbm>>
      tpu.enqueue_indirect_dma source(%dma_start3A_156 : memref<100352x8xf32, #tpu.memory_space<hbm>>) target(%arg21 : memref<256x8xf32, #tpu.memory_space<vmem>>) offsets(%dma_start3A_153 : memref<256xi32, #tpu.memory_space<vmem>>) semaphore(%arg31 : memref<!tpu.dma_semaphore, #tpu.memory_space<semaphore_mem>>)
      %dma_start3A_157 = arith.constant 3 : i32
      %dma_start3A_158 = arith.constant 0 : i32
      %dma_start3A_159 = tpu.memref_slice %arg9[%dma_start3A_157, %dma_start3A_158] : memref<8x256xi32, #tpu.memory_space<vmem>> -> memref<1x256xi32, #tpu.memory_space<vmem>>
      %dma_start3A_160 = tpu.memref_squeeze %dma_start3A_159 : memref<1x256xi32, #tpu.memory_space<vmem>> -> memref<256xi32, #tpu.memory_space<vmem>>
      %dma_start3A_161 = arith.constant 0 : i32
      %dma_start3A_162 = arith.constant 0 : i32
      %dma_start3A_163 = tpu.memref_slice %arg2[%dma_start3A_161, %dma_start3A_162] : memref<100352x8xf32, #tpu.memory_space<hbm>> -> memref<100352x8xf32, #tpu.memory_space<hbm>>
      tpu.enqueue_indirect_dma source(%dma_start3A_163 : memref<100352x8xf32, #tpu.memory_space<hbm>>) target(%arg22 : memref<256x8xf32, #tpu.memory_space<vmem>>) offsets(%dma_start3A_160 : memref<256xi32, #tpu.memory_space<vmem>>) semaphore(%arg31 : memref<!tpu.dma_semaphore, #tpu.memory_space<semaphore_mem>>)
      %dma_start3A_164 = arith.constant 4 : i32
      %dma_start3A_165 = arith.constant 0 : i32
      %dma_start3A_166 = tpu.memref_slice %arg9[%dma_start3A_164, %dma_start3A_165] : memref<8x256xi32, #tpu.memory_space<vmem>> -> memref<1x256xi32, #tpu.memory_space<vmem>>
      %dma_start3A_167 = tpu.memref_squeeze %dma_start3A_166 : memref<1x256xi32, #tpu.memory_space<vmem>> -> memref<256xi32, #tpu.memory_space<vmem>>
      %dma_start3A_168 = arith.constant 0 : i32
      %dma_start3A_169 = arith.constant 0 : i32
      %dma_start3A_170 = tpu.memref_slice %arg2[%dma_start3A_168, %dma_start3A_169] : memref<100352x8xf32, #tpu.memory_space<hbm>> -> memref<100352x8xf32, #tpu.memory_space<hbm>>
      tpu.enqueue_indirect_dma source(%dma_start3A_170 : memref<100352x8xf32, #tpu.memory_space<hbm>>) target(%arg23 : memref<256x8xf32, #tpu.memory_space<vmem>>) offsets(%dma_start3A_167 : memref<256xi32, #tpu.memory_space<vmem>>) semaphore(%arg31 : memref<!tpu.dma_semaphore, #tpu.memory_space<semaphore_mem>>)
      %dma_start3A_171 = arith.constant 5 : i32
      %dma_start3A_172 = arith.constant 0 : i32
      %dma_start3A_173 = tpu.memref_slice %arg9[%dma_start3A_171, %dma_start3A_172] : memref<8x256xi32, #tpu.memory_space<vmem>> -> memref<1x256xi32, #tpu.memory_space<vmem>>
      %dma_start3A_174 = tpu.memref_squeeze %dma_start3A_173 : memref<1x256xi32, #tpu.memory_space<vmem>> -> memref<256xi32, #tpu.memory_space<vmem>>
      %dma_start3A_175 = arith.constant 0 : i32
      %dma_start3A_176 = arith.constant 0 : i32
      %dma_start3A_177 = tpu.memref_slice %arg2[%dma_start3A_175, %dma_start3A_176] : memref<100352x8xf32, #tpu.memory_space<hbm>> -> memref<100352x8xf32, #tpu.memory_space<hbm>>
      tpu.enqueue_indirect_dma source(%dma_start3A_177 : memref<100352x8xf32, #tpu.memory_space<hbm>>) target(%arg24 : memref<256x8xf32, #tpu.memory_space<vmem>>) offsets(%dma_start3A_174 : memref<256xi32, #tpu.memory_space<vmem>>) semaphore(%arg31 : memref<!tpu.dma_semaphore, #tpu.memory_space<semaphore_mem>>)
      %dma_start3A_178 = arith.constant 6 : i32
      %dma_start3A_179 = arith.constant 0 : i32
      %dma_start3A_180 = tpu.memref_slice %arg9[%dma_start3A_178, %dma_start3A_179] : memref<8x256xi32, #tpu.memory_space<vmem>> -> memref<1x256xi32, #tpu.memory_space<vmem>>
      %dma_start3A_181 = tpu.memref_squeeze %dma_start3A_180 : memref<1x256xi32, #tpu.memory_space<vmem>> -> memref<256xi32, #tpu.memory_space<vmem>>
      %dma_start3A_182 = arith.constant 0 : i32
      %dma_start3A_183 = arith.constant 0 : i32
      %dma_start3A_184 = tpu.memref_slice %arg2[%dma_start3A_182, %dma_start3A_183] : memref<100352x8xf32, #tpu.memory_space<hbm>> -> memref<100352x8xf32, #tpu.memory_space<hbm>>
      tpu.enqueue_indirect_dma source(%dma_start3A_184 : memref<100352x8xf32, #tpu.memory_space<hbm>>) target(%arg25 : memref<256x8xf32, #tpu.memory_space<vmem>>) offsets(%dma_start3A_181 : memref<256xi32, #tpu.memory_space<vmem>>) semaphore(%arg31 : memref<!tpu.dma_semaphore, #tpu.memory_space<semaphore_mem>>)
      %dma_start3A_185 = arith.constant 7 : i32
      %dma_start3A_186 = arith.constant 0 : i32
      %dma_start3A_187 = tpu.memref_slice %arg9[%dma_start3A_185, %dma_start3A_186] : memref<8x256xi32, #tpu.memory_space<vmem>> -> memref<1x256xi32, #tpu.memory_space<vmem>>
      %dma_start3A_188 = tpu.memref_squeeze %dma_start3A_187 : memref<1x256xi32, #tpu.memory_space<vmem>> -> memref<256xi32, #tpu.memory_space<vmem>>
      %dma_start3A_189 = arith.constant 0 : i32
      %dma_start3A_190 = arith.constant 0 : i32
      %dma_start3A_191 = tpu.memref_slice %arg2[%dma_start3A_189, %dma_start3A_190] : memref<100352x8xf32, #tpu.memory_space<hbm>> -> memref<100352x8xf32, #tpu.memory_space<hbm>>
      tpu.enqueue_indirect_dma source(%dma_start3A_191 : memref<100352x8xf32, #tpu.memory_space<hbm>>) target(%arg26 : memref<256x8xf32, #tpu.memory_space<vmem>>) offsets(%dma_start3A_188 : memref<256xi32, #tpu.memory_space<vmem>>) semaphore(%arg31 : memref<!tpu.dma_semaphore, #tpu.memory_space<semaphore_mem>>)
      %dma_wait3A_192 = arith.constant 0 : i32
      %dma_wait3A_193 = arith.constant 0 : i32
      %dma_wait3A_194 = tpu.memref_slice %arg7[%dma_wait3A_192, %dma_wait3A_193] : memref<8x256xi32, #tpu.memory_space<vmem>> -> memref<1x256xi32, #tpu.memory_space<vmem>>
      %dma_wait3A_195 = tpu.memref_squeeze %dma_wait3A_194 : memref<1x256xi32, #tpu.memory_space<vmem>> -> memref<256xi32, #tpu.memory_space<vmem>>
      %dma_wait3A_196 = arith.constant 0 : i32
      %dma_wait3A_197 = arith.constant 0 : i32
      %dma_wait3A_198 = tpu.memref_slice %arg2[%dma_wait3A_196, %dma_wait3A_197] : memref<100352x8xf32, #tpu.memory_space<hbm>> -> memref<100352x8xf32, #tpu.memory_space<hbm>>
      tpu.wait_indirect_dma semaphore(%arg30 : memref<!tpu.dma_semaphore, #tpu.memory_space<semaphore_mem>>) src(%dma_wait3A_198 : memref<100352x8xf32, #tpu.memory_space<hbm>>) dst(%arg11 : memref<256x8xf32, #tpu.memory_space<vmem>>)
      %dma_wait3A_199 = arith.constant 1 : i32
      %dma_wait3A_200 = arith.constant 0 : i32
      %dma_wait3A_201 = tpu.memref_slice %arg7[%dma_wait3A_199, %dma_wait3A_200] : memref<8x256xi32, #tpu.memory_space<vmem>> -> memref<1x256xi32, #tpu.memory_space<vmem>>
      %dma_wait3A_202 = tpu.memref_squeeze %dma_wait3A_201 : memref<1x256xi32, #tpu.memory_space<vmem>> -> memref<256xi32, #tpu.memory_space<vmem>>
      %dma_wait3A_203 = arith.constant 0 : i32
      %dma_wait3A_204 = arith.constant 0 : i32
      %dma_wait3A_205 = tpu.memref_slice %arg2[%dma_wait3A_203, %dma_wait3A_204] : memref<100352x8xf32, #tpu.memory_space<hbm>> -> memref<100352x8xf32, #tpu.memory_space<hbm>>
      tpu.wait_indirect_dma semaphore(%arg30 : memref<!tpu.dma_semaphore, #tpu.memory_space<semaphore_mem>>) src(%dma_wait3A_205 : memref<100352x8xf32, #tpu.memory_space<hbm>>) dst(%arg12 : memref<256x8xf32, #tpu.memory_space<vmem>>)
      %dma_wait3A_206 = arith.constant 2 : i32
      %dma_wait3A_207 = arith.constant 0 : i32
      %dma_wait3A_208 = tpu.memref_slice %arg7[%dma_wait3A_206, %dma_wait3A_207] : memref<8x256xi32, #tpu.memory_space<vmem>> -> memref<1x256xi32, #tpu.memory_space<vmem>>
      %dma_wait3A_209 = tpu.memref_squeeze %dma_wait3A_208 : memref<1x256xi32, #tpu.memory_space<vmem>> -> memref<256xi32, #tpu.memory_space<vmem>>
      %dma_wait3A_210 = arith.constant 0 : i32
      %dma_wait3A_211 = arith.constant 0 : i32
      %dma_wait3A_212 = tpu.memref_slice %arg2[%dma_wait3A_210, %dma_wait3A_211] : memref<100352x8xf32, #tpu.memory_space<hbm>> -> memref<100352x8xf32, #tpu.memory_space<hbm>>
      tpu.wait_indirect_dma semaphore(%arg30 : memref<!tpu.dma_semaphore, #tpu.memory_space<semaphore_mem>>) src(%dma_wait3A_212 : memref<100352x8xf32, #tpu.memory_space<hbm>>) dst(%arg13 : memref<256x8xf32, #tpu.memory_space<vmem>>)
      %dma_wait3A_213 = arith.constant 3 : i32
      %dma_wait3A_214 = arith.constant 0 : i32
      %dma_wait3A_215 = tpu.memref_slice %arg7[%dma_wait3A_213, %dma_wait3A_214] : memref<8x256xi32, #tpu.memory_space<vmem>> -> memref<1x256xi32, #tpu.memory_space<vmem>>
      %dma_wait3A_216 = tpu.memref_squeeze %dma_wait3A_215 : memref<1x256xi32, #tpu.memory_space<vmem>> -> memref<256xi32, #tpu.memory_space<vmem>>
      %dma_wait3A_217 = arith.constant 0 : i32
      %dma_wait3A_218 = arith.constant 0 : i32
      %dma_wait3A_219 = tpu.memref_slice %arg2[%dma_wait3A_217, %dma_wait3A_218] : memref<100352x8xf32, #tpu.memory_space<hbm>> -> memref<100352x8xf32, #tpu.memory_space<hbm>>
      tpu.wait_indirect_dma semaphore(%arg30 : memref<!tpu.dma_semaphore, #tpu.memory_space<semaphore_mem>>) src(%dma_wait3A_219 : memref<100352x8xf32, #tpu.memory_space<hbm>>) dst(%arg14 : memref<256x8xf32, #tpu.memory_space<vmem>>)
      %dma_wait3A_220 = arith.constant 4 : i32
      %dma_wait3A_221 = arith.constant 0 : i32
      %dma_wait3A_222 = tpu.memref_slice %arg7[%dma_wait3A_220, %dma_wait3A_221] : memref<8x256xi32, #tpu.memory_space<vmem>> -> memref<1x256xi32, #tpu.memory_space<vmem>>
      %dma_wait3A_223 = tpu.memref_squeeze %dma_wait3A_222 : memref<1x256xi32, #tpu.memory_space<vmem>> -> memref<256xi32, #tpu.memory_space<vmem>>
      %dma_wait3A_224 = arith.constant 0 : i32
      %dma_wait3A_225 = arith.constant 0 : i32
      %dma_wait3A_226 = tpu.memref_slice %arg2[%dma_wait3A_224, %dma_wait3A_225] : memref<100352x8xf32, #tpu.memory_space<hbm>> -> memref<100352x8xf32, #tpu.memory_space<hbm>>
      tpu.wait_indirect_dma semaphore(%arg30 : memref<!tpu.dma_semaphore, #tpu.memory_space<semaphore_mem>>) src(%dma_wait3A_226 : memref<100352x8xf32, #tpu.memory_space<hbm>>) dst(%arg15 : memref<256x8xf32, #tpu.memory_space<vmem>>)
      %dma_wait3A_227 = arith.constant 5 : i32
      %dma_wait3A_228 = arith.constant 0 : i32
      %dma_wait3A_229 = tpu.memref_slice %arg7[%dma_wait3A_227, %dma_wait3A_228] : memref<8x256xi32, #tpu.memory_space<vmem>> -> memref<1x256xi32, #tpu.memory_space<vmem>>
      %dma_wait3A_230 = tpu.memref_squeeze %dma_wait3A_229 : memref<1x256xi32, #tpu.memory_space<vmem>> -> memref<256xi32, #tpu.memory_space<vmem>>
      %dma_wait3A_231 = arith.constant 0 : i32
      %dma_wait3A_232 = arith.constant 0 : i32
      %dma_wait3A_233 = tpu.memref_slice %arg2[%dma_wait3A_231, %dma_wait3A_232] : memref<100352x8xf32, #tpu.memory_space<hbm>> -> memref<100352x8xf32, #tpu.memory_space<hbm>>
      tpu.wait_indirect_dma semaphore(%arg30 : memref<!tpu.dma_semaphore, #tpu.memory_space<semaphore_mem>>) src(%dma_wait3A_233 : memref<100352x8xf32, #tpu.memory_space<hbm>>) dst(%arg16 : memref<256x8xf32, #tpu.memory_space<vmem>>)
      %dma_wait3A_234 = arith.constant 6 : i32
      %dma_wait3A_235 = arith.constant 0 : i32
      %dma_wait3A_236 = tpu.memref_slice %arg7[%dma_wait3A_234, %dma_wait3A_235] : memref<8x256xi32, #tpu.memory_space<vmem>> -> memref<1x256xi32, #tpu.memory_space<vmem>>
      %dma_wait3A_237 = tpu.memref_squeeze %dma_wait3A_236 : memref<1x256xi32, #tpu.memory_space<vmem>> -> memref<256xi32, #tpu.memory_space<vmem>>
      %dma_wait3A_238 = arith.constant 0 : i32
      %dma_wait3A_239 = arith.constant 0 : i32
      %dma_wait3A_240 = tpu.memref_slice %arg2[%dma_wait3A_238, %dma_wait3A_239] : memref<100352x8xf32, #tpu.memory_space<hbm>> -> memref<100352x8xf32, #tpu.memory_space<hbm>>
      tpu.wait_indirect_dma semaphore(%arg30 : memref<!tpu.dma_semaphore, #tpu.memory_space<semaphore_mem>>) src(%dma_wait3A_240 : memref<100352x8xf32, #tpu.memory_space<hbm>>) dst(%arg17 : memref<256x8xf32, #tpu.memory_space<vmem>>)
      %dma_wait3A_241 = arith.constant 7 : i32
      %dma_wait3A_242 = arith.constant 0 : i32
      %dma_wait3A_243 = tpu.memref_slice %arg7[%dma_wait3A_241, %dma_wait3A_242] : memref<8x256xi32, #tpu.memory_space<vmem>> -> memref<1x256xi32, #tpu.memory_space<vmem>>
      %dma_wait3A_244 = tpu.memref_squeeze %dma_wait3A_243 : memref<1x256xi32, #tpu.memory_space<vmem>> -> memref<256xi32, #tpu.memory_space<vmem>>
      %dma_wait3A_245 = arith.constant 0 : i32
      %dma_wait3A_246 = arith.constant 0 : i32
      %dma_wait3A_247 = tpu.memref_slice %arg2[%dma_wait3A_245, %dma_wait3A_246] : memref<100352x8xf32, #tpu.memory_space<hbm>> -> memref<100352x8xf32, #tpu.memory_space<hbm>>
      tpu.wait_indirect_dma semaphore(%arg30 : memref<!tpu.dma_semaphore, #tpu.memory_space<semaphore_mem>>) src(%dma_wait3A_247 : memref<100352x8xf32, #tpu.memory_space<hbm>>) dst(%arg18 : memref<256x8xf32, #tpu.memory_space<vmem>>)
      %dma_start3A_248 = arith.constant 0 : i32
      %dma_start3A_249 = arith.constant 0 : i32
      %dma_start3A_250 = tpu.memref_slice %arg8[%dma_start3A_248, %dma_start3A_249] : memref<8x256xi32, #tpu.memory_space<vmem>> -> memref<1x256xi32, #tpu.memory_space<vmem>>
      %dma_start3A_251 = tpu.memref_squeeze %dma_start3A_250 : memref<1x256xi32, #tpu.memory_space<vmem>> -> memref<256xi32, #tpu.memory_space<vmem>>
      %dma_start3A_252 = arith.constant 0 : i32
      %dma_start3A_253 = arith.constant 0 : i32
      %dma_start3A_254 = tpu.memref_slice %arg27[%dma_start3A_252, %dma_start3A_253] : memref<100352x8xf32, #tpu.memory_space<vmem_shared>> -> memref<100352x8xf32, #tpu.memory_space<vmem_shared>>
      tpu.enqueue_indirect_dma source(%arg11 : memref<256x8xf32, #tpu.memory_space<vmem>>) target(%dma_start3A_254 : memref<100352x8xf32, #tpu.memory_space<vmem_shared>>) offsets(%dma_start3A_251 : memref<256xi32, #tpu.memory_space<vmem>>) semaphore(%arg32 : memref<!tpu.dma_semaphore, #tpu.memory_space<semaphore_mem>>) {add = true}
      %dma_start3A_255 = arith.constant 1 : i32
      %dma_start3A_256 = arith.constant 0 : i32
      %dma_start3A_257 = tpu.memref_slice %arg8[%dma_start3A_255, %dma_start3A_256] : memref<8x256xi32, #tpu.memory_space<vmem>> -> memref<1x256xi32, #tpu.memory_space<vmem>>
      %dma_start3A_258 = tpu.memref_squeeze %dma_start3A_257 : memref<1x256xi32, #tpu.memory_space<vmem>> -> memref<256xi32, #tpu.memory_space<vmem>>
      %dma_start3A_259 = arith.constant 0 : i32
      %dma_start3A_260 = arith.constant 0 : i32
      %dma_start3A_261 = tpu.memref_slice %arg27[%dma_start3A_259, %dma_start3A_260] : memref<100352x8xf32, #tpu.memory_space<vmem_shared>> -> memref<100352x8xf32, #tpu.memory_space<vmem_shared>>
      tpu.enqueue_indirect_dma source(%arg12 : memref<256x8xf32, #tpu.memory_space<vmem>>) target(%dma_start3A_261 : memref<100352x8xf32, #tpu.memory_space<vmem_shared>>) offsets(%dma_start3A_258 : memref<256xi32, #tpu.memory_space<vmem>>) semaphore(%arg32 : memref<!tpu.dma_semaphore, #tpu.memory_space<semaphore_mem>>) {add = true}
      %dma_start3A_262 = arith.constant 2 : i32
      %dma_start3A_263 = arith.constant 0 : i32
      %dma_start3A_264 = tpu.memref_slice %arg8[%dma_start3A_262, %dma_start3A_263] : memref<8x256xi32, #tpu.memory_space<vmem>> -> memref<1x256xi32, #tpu.memory_space<vmem>>
      %dma_start3A_265 = tpu.memref_squeeze %dma_start3A_264 : memref<1x256xi32, #tpu.memory_space<vmem>> -> memref<256xi32, #tpu.memory_space<vmem>>
      %dma_start3A_266 = arith.constant 0 : i32
      %dma_start3A_267 = arith.constant 0 : i32
      %dma_start3A_268 = tpu.memref_slice %arg27[%dma_start3A_266, %dma_start3A_267] : memref<100352x8xf32, #tpu.memory_space<vmem_shared>> -> memref<100352x8xf32, #tpu.memory_space<vmem_shared>>
      tpu.enqueue_indirect_dma source(%arg13 : memref<256x8xf32, #tpu.memory_space<vmem>>) target(%dma_start3A_268 : memref<100352x8xf32, #tpu.memory_space<vmem_shared>>) offsets(%dma_start3A_265 : memref<256xi32, #tpu.memory_space<vmem>>) semaphore(%arg32 : memref<!tpu.dma_semaphore, #tpu.memory_space<semaphore_mem>>) {add = true}
      %dma_start3A_269 = arith.constant 3 : i32
      %dma_start3A_270 = arith.constant 0 : i32
      %dma_start3A_271 = tpu.memref_slice %arg8[%dma_start3A_269, %dma_start3A_270] : memref<8x256xi32, #tpu.memory_space<vmem>> -> memref<1x256xi32, #tpu.memory_space<vmem>>
      %dma_start3A_272 = tpu.memref_squeeze %dma_start3A_271 : memref<1x256xi32, #tpu.memory_space<vmem>> -> memref<256xi32, #tpu.memory_space<vmem>>
      %dma_start3A_273 = arith.constant 0 : i32
      %dma_start3A_274 = arith.constant 0 : i32
      %dma_start3A_275 = tpu.memref_slice %arg27[%dma_start3A_273, %dma_start3A_274] : memref<100352x8xf32, #tpu.memory_space<vmem_shared>> -> memref<100352x8xf32, #tpu.memory_space<vmem_shared>>
      tpu.enqueue_indirect_dma source(%arg14 : memref<256x8xf32, #tpu.memory_space<vmem>>) target(%dma_start3A_275 : memref<100352x8xf32, #tpu.memory_space<vmem_shared>>) offsets(%dma_start3A_272 : memref<256xi32, #tpu.memory_space<vmem>>) semaphore(%arg32 : memref<!tpu.dma_semaphore, #tpu.memory_space<semaphore_mem>>) {add = true}
      %dma_start3A_276 = arith.constant 4 : i32
      %dma_start3A_277 = arith.constant 0 : i32
      %dma_start3A_278 = tpu.memref_slice %arg8[%dma_start3A_276, %dma_start3A_277] : memref<8x256xi32, #tpu.memory_space<vmem>> -> memref<1x256xi32, #tpu.memory_space<vmem>>
      %dma_start3A_279 = tpu.memref_squeeze %dma_start3A_278 : memref<1x256xi32, #tpu.memory_space<vmem>> -> memref<256xi32, #tpu.memory_space<vmem>>
      %dma_start3A_280 = arith.constant 0 : i32
      %dma_start3A_281 = arith.constant 0 : i32
      %dma_start3A_282 = tpu.memref_slice %arg27[%dma_start3A_280, %dma_start3A_281] : memref<100352x8xf32, #tpu.memory_space<vmem_shared>> -> memref<100352x8xf32, #tpu.memory_space<vmem_shared>>
      tpu.enqueue_indirect_dma source(%arg15 : memref<256x8xf32, #tpu.memory_space<vmem>>) target(%dma_start3A_282 : memref<100352x8xf32, #tpu.memory_space<vmem_shared>>) offsets(%dma_start3A_279 : memref<256xi32, #tpu.memory_space<vmem>>) semaphore(%arg32 : memref<!tpu.dma_semaphore, #tpu.memory_space<semaphore_mem>>) {add = true}
      %dma_start3A_283 = arith.constant 5 : i32
      %dma_start3A_284 = arith.constant 0 : i32
      %dma_start3A_285 = tpu.memref_slice %arg8[%dma_start3A_283, %dma_start3A_284] : memref<8x256xi32, #tpu.memory_space<vmem>> -> memref<1x256xi32, #tpu.memory_space<vmem>>
      %dma_start3A_286 = tpu.memref_squeeze %dma_start3A_285 : memref<1x256xi32, #tpu.memory_space<vmem>> -> memref<256xi32, #tpu.memory_space<vmem>>
      %dma_start3A_287 = arith.constant 0 : i32
      %dma_start3A_288 = arith.constant 0 : i32
      %dma_start3A_289 = tpu.memref_slice %arg27[%dma_start3A_287, %dma_start3A_288] : memref<100352x8xf32, #tpu.memory_space<vmem_shared>> -> memref<100352x8xf32, #tpu.memory_space<vmem_shared>>
      tpu.enqueue_indirect_dma source(%arg16 : memref<256x8xf32, #tpu.memory_space<vmem>>) target(%dma_start3A_289 : memref<100352x8xf32, #tpu.memory_space<vmem_shared>>) offsets(%dma_start3A_286 : memref<256xi32, #tpu.memory_space<vmem>>) semaphore(%arg32 : memref<!tpu.dma_semaphore, #tpu.memory_space<semaphore_mem>>) {add = true}
      %dma_start3A_290 = arith.constant 6 : i32
      %dma_start3A_291 = arith.constant 0 : i32
      %dma_start3A_292 = tpu.memref_slice %arg8[%dma_start3A_290, %dma_start3A_291] : memref<8x256xi32, #tpu.memory_space<vmem>> -> memref<1x256xi32, #tpu.memory_space<vmem>>
      %dma_start3A_293 = tpu.memref_squeeze %dma_start3A_292 : memref<1x256xi32, #tpu.memory_space<vmem>> -> memref<256xi32, #tpu.memory_space<vmem>>
      %dma_start3A_294 = arith.constant 0 : i32
      %dma_start3A_295 = arith.constant 0 : i32
      %dma_start3A_296 = tpu.memref_slice %arg27[%dma_start3A_294, %dma_start3A_295] : memref<100352x8xf32, #tpu.memory_space<vmem_shared>> -> memref<100352x8xf32, #tpu.memory_space<vmem_shared>>
      tpu.enqueue_indirect_dma source(%arg17 : memref<256x8xf32, #tpu.memory_space<vmem>>) target(%dma_start3A_296 : memref<100352x8xf32, #tpu.memory_space<vmem_shared>>) offsets(%dma_start3A_293 : memref<256xi32, #tpu.memory_space<vmem>>) semaphore(%arg32 : memref<!tpu.dma_semaphore, #tpu.memory_space<semaphore_mem>>) {add = true}
      %dma_start3A_297 = arith.constant 7 : i32
      %dma_start3A_298 = arith.constant 0 : i32
      %dma_start3A_299 = tpu.memref_slice %arg8[%dma_start3A_297, %dma_start3A_298] : memref<8x256xi32, #tpu.memory_space<vmem>> -> memref<1x256xi32, #tpu.memory_space<vmem>>
      %dma_start3A_300 = tpu.memref_squeeze %dma_start3A_299 : memref<1x256xi32, #tpu.memory_space<vmem>> -> memref<256xi32, #tpu.memory_space<vmem>>
      %dma_start3A_301 = arith.constant 0 : i32
      %dma_start3A_302 = arith.constant 0 : i32
      %dma_start3A_303 = tpu.memref_slice %arg27[%dma_start3A_301, %dma_start3A_302] : memref<100352x8xf32, #tpu.memory_space<vmem_shared>> -> memref<100352x8xf32, #tpu.memory_space<vmem_shared>>
      tpu.enqueue_indirect_dma source(%arg18 : memref<256x8xf32, #tpu.memory_space<vmem>>) target(%dma_start3A_303 : memref<100352x8xf32, #tpu.memory_space<vmem_shared>>) offsets(%dma_start3A_300 : memref<256xi32, #tpu.memory_space<vmem>>) semaphore(%arg32 : memref<!tpu.dma_semaphore, #tpu.memory_space<semaphore_mem>>) {add = true}
      %dma_wait3A_304 = arith.constant 0 : i32
      %dma_wait3A_305 = arith.constant 0 : i32
      %dma_wait3A_306 = tpu.memref_slice %arg9[%dma_wait3A_304, %dma_wait3A_305] : memref<8x256xi32, #tpu.memory_space<vmem>> -> memref<1x256xi32, #tpu.memory_space<vmem>>
      %dma_wait3A_307 = tpu.memref_squeeze %dma_wait3A_306 : memref<1x256xi32, #tpu.memory_space<vmem>> -> memref<256xi32, #tpu.memory_space<vmem>>
      %dma_wait3A_308 = arith.constant 0 : i32
      %dma_wait3A_309 = arith.constant 0 : i32
      %dma_wait3A_310 = tpu.memref_slice %arg2[%dma_wait3A_308, %dma_wait3A_309] : memref<100352x8xf32, #tpu.memory_space<hbm>> -> memref<100352x8xf32, #tpu.memory_space<hbm>>
      tpu.wait_indirect_dma semaphore(%arg31 : memref<!tpu.dma_semaphore, #tpu.memory_space<semaphore_mem>>) src(%dma_wait3A_310 : memref<100352x8xf32, #tpu.memory_space<hbm>>) dst(%arg19 : memref<256x8xf32, #tpu.memory_space<vmem>>)
      %dma_wait3A_311 = arith.constant 1 : i32
      %dma_wait3A_312 = arith.constant 0 : i32
      %dma_wait3A_313 = tpu.memref_slice %arg9[%dma_wait3A_311, %dma_wait3A_312] : memref<8x256xi32, #tpu.memory_space<vmem>> -> memref<1x256xi32, #tpu.memory_space<vmem>>
      %dma_wait3A_314 = tpu.memref_squeeze %dma_wait3A_313 : memref<1x256xi32, #tpu.memory_space<vmem>> -> memref<256xi32, #tpu.memory_space<vmem>>
      %dma_wait3A_315 = arith.constant 0 : i32
      %dma_wait3A_316 = arith.constant 0 : i32
      %dma_wait3A_317 = tpu.memref_slice %arg2[%dma_wait3A_315, %dma_wait3A_316] : memref<100352x8xf32, #tpu.memory_space<hbm>> -> memref<100352x8xf32, #tpu.memory_space<hbm>>
      tpu.wait_indirect_dma semaphore(%arg31 : memref<!tpu.dma_semaphore, #tpu.memory_space<semaphore_mem>>) src(%dma_wait3A_317 : memref<100352x8xf32, #tpu.memory_space<hbm>>) dst(%arg20 : memref<256x8xf32, #tpu.memory_space<vmem>>)
      %dma_wait3A_318 = arith.constant 2 : i32
      %dma_wait3A_319 = arith.constant 0 : i32
      %dma_wait3A_320 = tpu.memref_slice %arg9[%dma_wait3A_318, %dma_wait3A_319] : memref<8x256xi32, #tpu.memory_space<vmem>> -> memref<1x256xi32, #tpu.memory_space<vmem>>
      %dma_wait3A_321 = tpu.memref_squeeze %dma_wait3A_320 : memref<1x256xi32, #tpu.memory_space<vmem>> -> memref<256xi32, #tpu.memory_space<vmem>>
      %dma_wait3A_322 = arith.constant 0 : i32
      %dma_wait3A_323 = arith.constant 0 : i32
      %dma_wait3A_324 = tpu.memref_slice %arg2[%dma_wait3A_322, %dma_wait3A_323] : memref<100352x8xf32, #tpu.memory_space<hbm>> -> memref<100352x8xf32, #tpu.memory_space<hbm>>
      tpu.wait_indirect_dma semaphore(%arg31 : memref<!tpu.dma_semaphore, #tpu.memory_space<semaphore_mem>>) src(%dma_wait3A_324 : memref<100352x8xf32, #tpu.memory_space<hbm>>) dst(%arg21 : memref<256x8xf32, #tpu.memory_space<vmem>>)
      %dma_wait3A_325 = arith.constant 3 : i32
      %dma_wait3A_326 = arith.constant 0 : i32
      %dma_wait3A_327 = tpu.memref_slice %arg9[%dma_wait3A_325, %dma_wait3A_326] : memref<8x256xi32, #tpu.memory_space<vmem>> -> memref<1x256xi32, #tpu.memory_space<vmem>>
      %dma_wait3A_328 = tpu.memref_squeeze %dma_wait3A_327 : memref<1x256xi32, #tpu.memory_space<vmem>> -> memref<256xi32, #tpu.memory_space<vmem>>
      %dma_wait3A_329 = arith.constant 0 : i32
      %dma_wait3A_330 = arith.constant 0 : i32
      %dma_wait3A_331 = tpu.memref_slice %arg2[%dma_wait3A_329, %dma_wait3A_330] : memref<100352x8xf32, #tpu.memory_space<hbm>> -> memref<100352x8xf32, #tpu.memory_space<hbm>>
      tpu.wait_indirect_dma semaphore(%arg31 : memref<!tpu.dma_semaphore, #tpu.memory_space<semaphore_mem>>) src(%dma_wait3A_331 : memref<100352x8xf32, #tpu.memory_space<hbm>>) dst(%arg22 : memref<256x8xf32, #tpu.memory_space<vmem>>)
      %dma_wait3A_332 = arith.constant 4 : i32
      %dma_wait3A_333 = arith.constant 0 : i32
      %dma_wait3A_334 = tpu.memref_slice %arg9[%dma_wait3A_332, %dma_wait3A_333] : memref<8x256xi32, #tpu.memory_space<vmem>> -> memref<1x256xi32, #tpu.memory_space<vmem>>
      %dma_wait3A_335 = tpu.memref_squeeze %dma_wait3A_334 : memref<1x256xi32, #tpu.memory_space<vmem>> -> memref<256xi32, #tpu.memory_space<vmem>>
      %dma_wait3A_336 = arith.constant 0 : i32
      %dma_wait3A_337 = arith.constant 0 : i32
      %dma_wait3A_338 = tpu.memref_slice %arg2[%dma_wait3A_336, %dma_wait3A_337] : memref<100352x8xf32, #tpu.memory_space<hbm>> -> memref<100352x8xf32, #tpu.memory_space<hbm>>
      tpu.wait_indirect_dma semaphore(%arg31 : memref<!tpu.dma_semaphore, #tpu.memory_space<semaphore_mem>>) src(%dma_wait3A_338 : memref<100352x8xf32, #tpu.memory_space<hbm>>) dst(%arg23 : memref<256x8xf32, #tpu.memory_space<vmem>>)
      %dma_wait3A_339 = arith.constant 5 : i32
      %dma_wait3A_340 = arith.constant 0 : i32
      %dma_wait3A_341 = tpu.memref_slice %arg9[%dma_wait3A_339, %dma_wait3A_340] : memref<8x256xi32, #tpu.memory_space<vmem>> -> memref<1x256xi32, #tpu.memory_space<vmem>>
      %dma_wait3A_342 = tpu.memref_squeeze %dma_wait3A_341 : memref<1x256xi32, #tpu.memory_space<vmem>> -> memref<256xi32, #tpu.memory_space<vmem>>
      %dma_wait3A_343 = arith.constant 0 : i32
      %dma_wait3A_344 = arith.constant 0 : i32
      %dma_wait3A_345 = tpu.memref_slice %arg2[%dma_wait3A_343, %dma_wait3A_344] : memref<100352x8xf32, #tpu.memory_space<hbm>> -> memref<100352x8xf32, #tpu.memory_space<hbm>>
      tpu.wait_indirect_dma semaphore(%arg31 : memref<!tpu.dma_semaphore, #tpu.memory_space<semaphore_mem>>) src(%dma_wait3A_345 : memref<100352x8xf32, #tpu.memory_space<hbm>>) dst(%arg24 : memref<256x8xf32, #tpu.memory_space<vmem>>)
      %dma_wait3A_346 = arith.constant 6 : i32
      %dma_wait3A_347 = arith.constant 0 : i32
      %dma_wait3A_348 = tpu.memref_slice %arg9[%dma_wait3A_346, %dma_wait3A_347] : memref<8x256xi32, #tpu.memory_space<vmem>> -> memref<1x256xi32, #tpu.memory_space<vmem>>
      %dma_wait3A_349 = tpu.memref_squeeze %dma_wait3A_348 : memref<1x256xi32, #tpu.memory_space<vmem>> -> memref<256xi32, #tpu.memory_space<vmem>>
      %dma_wait3A_350 = arith.constant 0 : i32
      %dma_wait3A_351 = arith.constant 0 : i32
      %dma_wait3A_352 = tpu.memref_slice %arg2[%dma_wait3A_350, %dma_wait3A_351] : memref<100352x8xf32, #tpu.memory_space<hbm>> -> memref<100352x8xf32, #tpu.memory_space<hbm>>
      tpu.wait_indirect_dma semaphore(%arg31 : memref<!tpu.dma_semaphore, #tpu.memory_space<semaphore_mem>>) src(%dma_wait3A_352 : memref<100352x8xf32, #tpu.memory_space<hbm>>) dst(%arg25 : memref<256x8xf32, #tpu.memory_space<vmem>>)
      %dma_wait3A_353 = arith.constant 7 : i32
      %dma_wait3A_354 = arith.constant 0 : i32
      %dma_wait3A_355 = tpu.memref_slice %arg9[%dma_wait3A_353, %dma_wait3A_354] : memref<8x256xi32, #tpu.memory_space<vmem>> -> memref<1x256xi32, #tpu.memory_space<vmem>>
      %dma_wait3A_356 = tpu.memref_squeeze %dma_wait3A_355 : memref<1x256xi32, #tpu.memory_space<vmem>> -> memref<256xi32, #tpu.memory_space<vmem>>
      %dma_wait3A_357 = arith.constant 0 : i32
      %dma_wait3A_358 = arith.constant 0 : i32
      %dma_wait3A_359 = tpu.memref_slice %arg2[%dma_wait3A_357, %dma_wait3A_358] : memref<100352x8xf32, #tpu.memory_space<hbm>> -> memref<100352x8xf32, #tpu.memory_space<hbm>>
      tpu.wait_indirect_dma semaphore(%arg31 : memref<!tpu.dma_semaphore, #tpu.memory_space<semaphore_mem>>) src(%dma_wait3A_359 : memref<100352x8xf32, #tpu.memory_space<hbm>>) dst(%arg26 : memref<256x8xf32, #tpu.memory_space<vmem>>)
      %dma_start3A_360 = arith.constant 0 : i32
      %dma_start3A_361 = arith.constant 0 : i32
      %dma_start3A_362 = tpu.memref_slice %arg10[%dma_start3A_360, %dma_start3A_361] : memref<8x256xi32, #tpu.memory_space<vmem>> -> memref<1x256xi32, #tpu.memory_space<vmem>>
      %dma_start3A_363 = tpu.memref_squeeze %dma_start3A_362 : memref<1x256xi32, #tpu.memory_space<vmem>> -> memref<256xi32, #tpu.memory_space<vmem>>
      %dma_start3A_364 = arith.constant 0 : i32
      %dma_start3A_365 = arith.constant 0 : i32
      %dma_start3A_366 = tpu.memref_slice %arg27[%dma_start3A_364, %dma_start3A_365] : memref<100352x8xf32, #tpu.memory_space<vmem_shared>> -> memref<100352x8xf32, #tpu.memory_space<vmem_shared>>
      tpu.enqueue_indirect_dma source(%arg19 : memref<256x8xf32, #tpu.memory_space<vmem>>) target(%dma_start3A_366 : memref<100352x8xf32, #tpu.memory_space<vmem_shared>>) offsets(%dma_start3A_363 : memref<256xi32, #tpu.memory_space<vmem>>) semaphore(%arg33 : memref<!tpu.dma_semaphore, #tpu.memory_space<semaphore_mem>>) {add = true}
      %dma_start3A_367 = arith.constant 1 : i32
      %dma_start3A_368 = arith.constant 0 : i32
      %dma_start3A_369 = tpu.memref_slice %arg10[%dma_start3A_367, %dma_start3A_368] : memref<8x256xi32, #tpu.memory_space<vmem>> -> memref<1x256xi32, #tpu.memory_space<vmem>>
      %dma_start3A_370 = tpu.memref_squeeze %dma_start3A_369 : memref<1x256xi32, #tpu.memory_space<vmem>> -> memref<256xi32, #tpu.memory_space<vmem>>
      %dma_start3A_371 = arith.constant 0 : i32
      %dma_start3A_372 = arith.constant 0 : i32
      %dma_start3A_373 = tpu.memref_slice %arg27[%dma_start3A_371, %dma_start3A_372] : memref<100352x8xf32, #tpu.memory_space<vmem_shared>> -> memref<100352x8xf32, #tpu.memory_space<vmem_shared>>
      tpu.enqueue_indirect_dma source(%arg20 : memref<256x8xf32, #tpu.memory_space<vmem>>) target(%dma_start3A_373 : memref<100352x8xf32, #tpu.memory_space<vmem_shared>>) offsets(%dma_start3A_370 : memref<256xi32, #tpu.memory_space<vmem>>) semaphore(%arg33 : memref<!tpu.dma_semaphore, #tpu.memory_space<semaphore_mem>>) {add = true}
      %dma_start3A_374 = arith.constant 2 : i32
      %dma_start3A_375 = arith.constant 0 : i32
      %dma_start3A_376 = tpu.memref_slice %arg10[%dma_start3A_374, %dma_start3A_375] : memref<8x256xi32, #tpu.memory_space<vmem>> -> memref<1x256xi32, #tpu.memory_space<vmem>>
      %dma_start3A_377 = tpu.memref_squeeze %dma_start3A_376 : memref<1x256xi32, #tpu.memory_space<vmem>> -> memref<256xi32, #tpu.memory_space<vmem>>
      %dma_start3A_378 = arith.constant 0 : i32
      %dma_start3A_379 = arith.constant 0 : i32
      %dma_start3A_380 = tpu.memref_slice %arg27[%dma_start3A_378, %dma_start3A_379] : memref<100352x8xf32, #tpu.memory_space<vmem_shared>> -> memref<100352x8xf32, #tpu.memory_space<vmem_shared>>
      tpu.enqueue_indirect_dma source(%arg21 : memref<256x8xf32, #tpu.memory_space<vmem>>) target(%dma_start3A_380 : memref<100352x8xf32, #tpu.memory_space<vmem_shared>>) offsets(%dma_start3A_377 : memref<256xi32, #tpu.memory_space<vmem>>) semaphore(%arg33 : memref<!tpu.dma_semaphore, #tpu.memory_space<semaphore_mem>>) {add = true}
      %dma_start3A_381 = arith.constant 3 : i32
      %dma_start3A_382 = arith.constant 0 : i32
      %dma_start3A_383 = tpu.memref_slice %arg10[%dma_start3A_381, %dma_start3A_382] : memref<8x256xi32, #tpu.memory_space<vmem>> -> memref<1x256xi32, #tpu.memory_space<vmem>>
      %dma_start3A_384 = tpu.memref_squeeze %dma_start3A_383 : memref<1x256xi32, #tpu.memory_space<vmem>> -> memref<256xi32, #tpu.memory_space<vmem>>
      %dma_start3A_385 = arith.constant 0 : i32
      %dma_start3A_386 = arith.constant 0 : i32
      %dma_start3A_387 = tpu.memref_slice %arg27[%dma_start3A_385, %dma_start3A_386] : memref<100352x8xf32, #tpu.memory_space<vmem_shared>> -> memref<100352x8xf32, #tpu.memory_space<vmem_shared>>
      tpu.enqueue_indirect_dma source(%arg22 : memref<256x8xf32, #tpu.memory_space<vmem>>) target(%dma_start3A_387 : memref<100352x8xf32, #tpu.memory_space<vmem_shared>>) offsets(%dma_start3A_384 : memref<256xi32, #tpu.memory_space<vmem>>) semaphore(%arg33 : memref<!tpu.dma_semaphore, #tpu.memory_space<semaphore_mem>>) {add = true}
      %dma_start3A_388 = arith.constant 4 : i32
      %dma_start3A_389 = arith.constant 0 : i32
      %dma_start3A_390 = tpu.memref_slice %arg10[%dma_start3A_388, %dma_start3A_389] : memref<8x256xi32, #tpu.memory_space<vmem>> -> memref<1x256xi32, #tpu.memory_space<vmem>>
      %dma_start3A_391 = tpu.memref_squeeze %dma_start3A_390 : memref<1x256xi32, #tpu.memory_space<vmem>> -> memref<256xi32, #tpu.memory_space<vmem>>
      %dma_start3A_392 = arith.constant 0 : i32
      %dma_start3A_393 = arith.constant 0 : i32
      %dma_start3A_394 = tpu.memref_slice %arg27[%dma_start3A_392, %dma_start3A_393] : memref<100352x8xf32, #tpu.memory_space<vmem_shared>> -> memref<100352x8xf32, #tpu.memory_space<vmem_shared>>
      tpu.enqueue_indirect_dma source(%arg23 : memref<256x8xf32, #tpu.memory_space<vmem>>) target(%dma_start3A_394 : memref<100352x8xf32, #tpu.memory_space<vmem_shared>>) offsets(%dma_start3A_391 : memref<256xi32, #tpu.memory_space<vmem>>) semaphore(%arg33 : memref<!tpu.dma_semaphore, #tpu.memory_space<semaphore_mem>>) {add = true}
      %dma_start3A_395 = arith.constant 5 : i32
      %dma_start3A_396 = arith.constant 0 : i32
      %dma_start3A_397 = tpu.memref_slice %arg10[%dma_start3A_395, %dma_start3A_396] : memref<8x256xi32, #tpu.memory_space<vmem>> -> memref<1x256xi32, #tpu.memory_space<vmem>>
      %dma_start3A_398 = tpu.memref_squeeze %dma_start3A_397 : memref<1x256xi32, #tpu.memory_space<vmem>> -> memref<256xi32, #tpu.memory_space<vmem>>
      %dma_start3A_399 = arith.constant 0 : i32
      %dma_start3A_400 = arith.constant 0 : i32
      %dma_start3A_401 = tpu.memref_slice %arg27[%dma_start3A_399, %dma_start3A_400] : memref<100352x8xf32, #tpu.memory_space<vmem_shared>> -> memref<100352x8xf32, #tpu.memory_space<vmem_shared>>
      tpu.enqueue_indirect_dma source(%arg24 : memref<256x8xf32, #tpu.memory_space<vmem>>) target(%dma_start3A_401 : memref<100352x8xf32, #tpu.memory_space<vmem_shared>>) offsets(%dma_start3A_398 : memref<256xi32, #tpu.memory_space<vmem>>) semaphore(%arg33 : memref<!tpu.dma_semaphore, #tpu.memory_space<semaphore_mem>>) {add = true}
      %dma_start3A_402 = arith.constant 6 : i32
      %dma_start3A_403 = arith.constant 0 : i32
      %dma_start3A_404 = tpu.memref_slice %arg10[%dma_start3A_402, %dma_start3A_403] : memref<8x256xi32, #tpu.memory_space<vmem>> -> memref<1x256xi32, #tpu.memory_space<vmem>>
      %dma_start3A_405 = tpu.memref_squeeze %dma_start3A_404 : memref<1x256xi32, #tpu.memory_space<vmem>> -> memref<256xi32, #tpu.memory_space<vmem>>
      %dma_start3A_406 = arith.constant 0 : i32
      %dma_start3A_407 = arith.constant 0 : i32
      %dma_start3A_408 = tpu.memref_slice %arg27[%dma_start3A_406, %dma_start3A_407] : memref<100352x8xf32, #tpu.memory_space<vmem_shared>> -> memref<100352x8xf32, #tpu.memory_space<vmem_shared>>
      tpu.enqueue_indirect_dma source(%arg25 : memref<256x8xf32, #tpu.memory_space<vmem>>) target(%dma_start3A_408 : memref<100352x8xf32, #tpu.memory_space<vmem_shared>>) offsets(%dma_start3A_405 : memref<256xi32, #tpu.memory_space<vmem>>) semaphore(%arg33 : memref<!tpu.dma_semaphore, #tpu.memory_space<semaphore_mem>>) {add = true}
      %dma_start3A_409 = arith.constant 7 : i32
      %dma_start3A_410 = arith.constant 0 : i32
      %dma_start3A_411 = tpu.memref_slice %arg10[%dma_start3A_409, %dma_start3A_410] : memref<8x256xi32, #tpu.memory_space<vmem>> -> memref<1x256xi32, #tpu.memory_space<vmem>>
      %dma_start3A_412 = tpu.memref_squeeze %dma_start3A_411 : memref<1x256xi32, #tpu.memory_space<vmem>> -> memref<256xi32, #tpu.memory_space<vmem>>
      %dma_start3A_413 = arith.constant 0 : i32
      %dma_start3A_414 = arith.constant 0 : i32
      %dma_start3A_415 = tpu.memref_slice %arg27[%dma_start3A_413, %dma_start3A_414] : memref<100352x8xf32, #tpu.memory_space<vmem_shared>> -> memref<100352x8xf32, #tpu.memory_space<vmem_shared>>
      tpu.enqueue_indirect_dma source(%arg26 : memref<256x8xf32, #tpu.memory_space<vmem>>) target(%dma_start3A_415 : memref<100352x8xf32, #tpu.memory_space<vmem_shared>>) offsets(%dma_start3A_412 : memref<256xi32, #tpu.memory_space<vmem>>) semaphore(%arg33 : memref<!tpu.dma_semaphore, #tpu.memory_space<semaphore_mem>>) {add = true}
      %dma_wait3A_416 = arith.constant 0 : i32
      %dma_wait3A_417 = arith.constant 0 : i32
      %dma_wait3A_418 = tpu.memref_slice %arg8[%dma_wait3A_416, %dma_wait3A_417] : memref<8x256xi32, #tpu.memory_space<vmem>> -> memref<1x256xi32, #tpu.memory_space<vmem>>
      %dma_wait3A_419 = tpu.memref_squeeze %dma_wait3A_418 : memref<1x256xi32, #tpu.memory_space<vmem>> -> memref<256xi32, #tpu.memory_space<vmem>>
      %dma_wait3A_420 = arith.constant 0 : i32
      %dma_wait3A_421 = arith.constant 0 : i32
      %dma_wait3A_422 = tpu.memref_slice %arg27[%dma_wait3A_420, %dma_wait3A_421] : memref<100352x8xf32, #tpu.memory_space<vmem_shared>> -> memref<100352x8xf32, #tpu.memory_space<vmem_shared>>
      tpu.wait_indirect_dma semaphore(%arg32 : memref<!tpu.dma_semaphore, #tpu.memory_space<semaphore_mem>>) src(%arg11 : memref<256x8xf32, #tpu.memory_space<vmem>>) dst(%dma_wait3A_422 : memref<100352x8xf32, #tpu.memory_space<vmem_shared>>)
      %dma_wait3A_423 = arith.constant 1 : i32
      %dma_wait3A_424 = arith.constant 0 : i32
      %dma_wait3A_425 = tpu.memref_slice %arg8[%dma_wait3A_423, %dma_wait3A_424] : memref<8x256xi32, #tpu.memory_space<vmem>> -> memref<1x256xi32, #tpu.memory_space<vmem>>
      %dma_wait3A_426 = tpu.memref_squeeze %dma_wait3A_425 : memref<1x256xi32, #tpu.memory_space<vmem>> -> memref<256xi32, #tpu.memory_space<vmem>>
      %dma_wait3A_427 = arith.constant 0 : i32
      %dma_wait3A_428 = arith.constant 0 : i32
      %dma_wait3A_429 = tpu.memref_slice %arg27[%dma_wait3A_427, %dma_wait3A_428] : memref<100352x8xf32, #tpu.memory_space<vmem_shared>> -> memref<100352x8xf32, #tpu.memory_space<vmem_shared>>
      tpu.wait_indirect_dma semaphore(%arg32 : memref<!tpu.dma_semaphore, #tpu.memory_space<semaphore_mem>>) src(%arg12 : memref<256x8xf32, #tpu.memory_space<vmem>>) dst(%dma_wait3A_429 : memref<100352x8xf32, #tpu.memory_space<vmem_shared>>)
      %dma_wait3A_430 = arith.constant 2 : i32
      %dma_wait3A_431 = arith.constant 0 : i32
      %dma_wait3A_432 = tpu.memref_slice %arg8[%dma_wait3A_430, %dma_wait3A_431] : memref<8x256xi32, #tpu.memory_space<vmem>> -> memref<1x256xi32, #tpu.memory_space<vmem>>
      %dma_wait3A_433 = tpu.memref_squeeze %dma_wait3A_432 : memref<1x256xi32, #tpu.memory_space<vmem>> -> memref<256xi32, #tpu.memory_space<vmem>>
      %dma_wait3A_434 = arith.constant 0 : i32
      %dma_wait3A_435 = arith.constant 0 : i32
      %dma_wait3A_436 = tpu.memref_slice %arg27[%dma_wait3A_434, %dma_wait3A_435] : memref<100352x8xf32, #tpu.memory_space<vmem_shared>> -> memref<100352x8xf32, #tpu.memory_space<vmem_shared>>
      tpu.wait_indirect_dma semaphore(%arg32 : memref<!tpu.dma_semaphore, #tpu.memory_space<semaphore_mem>>) src(%arg13 : memref<256x8xf32, #tpu.memory_space<vmem>>) dst(%dma_wait3A_436 : memref<100352x8xf32, #tpu.memory_space<vmem_shared>>)
      %dma_wait3A_437 = arith.constant 3 : i32
      %dma_wait3A_438 = arith.constant 0 : i32
      %dma_wait3A_439 = tpu.memref_slice %arg8[%dma_wait3A_437, %dma_wait3A_438] : memref<8x256xi32, #tpu.memory_space<vmem>> -> memref<1x256xi32, #tpu.memory_space<vmem>>
      %dma_wait3A_440 = tpu.memref_squeeze %dma_wait3A_439 : memref<1x256xi32, #tpu.memory_space<vmem>> -> memref<256xi32, #tpu.memory_space<vmem>>
      %dma_wait3A_441 = arith.constant 0 : i32
      %dma_wait3A_442 = arith.constant 0 : i32
      %dma_wait3A_443 = tpu.memref_slice %arg27[%dma_wait3A_441, %dma_wait3A_442] : memref<100352x8xf32, #tpu.memory_space<vmem_shared>> -> memref<100352x8xf32, #tpu.memory_space<vmem_shared>>
      tpu.wait_indirect_dma semaphore(%arg32 : memref<!tpu.dma_semaphore, #tpu.memory_space<semaphore_mem>>) src(%arg14 : memref<256x8xf32, #tpu.memory_space<vmem>>) dst(%dma_wait3A_443 : memref<100352x8xf32, #tpu.memory_space<vmem_shared>>)
      %dma_wait3A_444 = arith.constant 4 : i32
      %dma_wait3A_445 = arith.constant 0 : i32
      %dma_wait3A_446 = tpu.memref_slice %arg8[%dma_wait3A_444, %dma_wait3A_445] : memref<8x256xi32, #tpu.memory_space<vmem>> -> memref<1x256xi32, #tpu.memory_space<vmem>>
      %dma_wait3A_447 = tpu.memref_squeeze %dma_wait3A_446 : memref<1x256xi32, #tpu.memory_space<vmem>> -> memref<256xi32, #tpu.memory_space<vmem>>
      %dma_wait3A_448 = arith.constant 0 : i32
      %dma_wait3A_449 = arith.constant 0 : i32
      %dma_wait3A_450 = tpu.memref_slice %arg27[%dma_wait3A_448, %dma_wait3A_449] : memref<100352x8xf32, #tpu.memory_space<vmem_shared>> -> memref<100352x8xf32, #tpu.memory_space<vmem_shared>>
      tpu.wait_indirect_dma semaphore(%arg32 : memref<!tpu.dma_semaphore, #tpu.memory_space<semaphore_mem>>) src(%arg15 : memref<256x8xf32, #tpu.memory_space<vmem>>) dst(%dma_wait3A_450 : memref<100352x8xf32, #tpu.memory_space<vmem_shared>>)
      %dma_wait3A_451 = arith.constant 5 : i32
      %dma_wait3A_452 = arith.constant 0 : i32
      %dma_wait3A_453 = tpu.memref_slice %arg8[%dma_wait3A_451, %dma_wait3A_452] : memref<8x256xi32, #tpu.memory_space<vmem>> -> memref<1x256xi32, #tpu.memory_space<vmem>>
      %dma_wait3A_454 = tpu.memref_squeeze %dma_wait3A_453 : memref<1x256xi32, #tpu.memory_space<vmem>> -> memref<256xi32, #tpu.memory_space<vmem>>
      %dma_wait3A_455 = arith.constant 0 : i32
      %dma_wait3A_456 = arith.constant 0 : i32
      %dma_wait3A_457 = tpu.memref_slice %arg27[%dma_wait3A_455, %dma_wait3A_456] : memref<100352x8xf32, #tpu.memory_space<vmem_shared>> -> memref<100352x8xf32, #tpu.memory_space<vmem_shared>>
      tpu.wait_indirect_dma semaphore(%arg32 : memref<!tpu.dma_semaphore, #tpu.memory_space<semaphore_mem>>) src(%arg16 : memref<256x8xf32, #tpu.memory_space<vmem>>) dst(%dma_wait3A_457 : memref<100352x8xf32, #tpu.memory_space<vmem_shared>>)
      %dma_wait3A_458 = arith.constant 6 : i32
      %dma_wait3A_459 = arith.constant 0 : i32
      %dma_wait3A_460 = tpu.memref_slice %arg8[%dma_wait3A_458, %dma_wait3A_459] : memref<8x256xi32, #tpu.memory_space<vmem>> -> memref<1x256xi32, #tpu.memory_space<vmem>>
      %dma_wait3A_461 = tpu.memref_squeeze %dma_wait3A_460 : memref<1x256xi32, #tpu.memory_space<vmem>> -> memref<256xi32, #tpu.memory_space<vmem>>
      %dma_wait3A_462 = arith.constant 0 : i32
      %dma_wait3A_463 = arith.constant 0 : i32
      %dma_wait3A_464 = tpu.memref_slice %arg27[%dma_wait3A_462, %dma_wait3A_463] : memref<100352x8xf32, #tpu.memory_space<vmem_shared>> -> memref<100352x8xf32, #tpu.memory_space<vmem_shared>>
      tpu.wait_indirect_dma semaphore(%arg32 : memref<!tpu.dma_semaphore, #tpu.memory_space<semaphore_mem>>) src(%arg17 : memref<256x8xf32, #tpu.memory_space<vmem>>) dst(%dma_wait3A_464 : memref<100352x8xf32, #tpu.memory_space<vmem_shared>>)
      %dma_wait3A_465 = arith.constant 7 : i32
      %dma_wait3A_466 = arith.constant 0 : i32
      %dma_wait3A_467 = tpu.memref_slice %arg8[%dma_wait3A_465, %dma_wait3A_466] : memref<8x256xi32, #tpu.memory_space<vmem>> -> memref<1x256xi32, #tpu.memory_space<vmem>>
      %dma_wait3A_468 = tpu.memref_squeeze %dma_wait3A_467 : memref<1x256xi32, #tpu.memory_space<vmem>> -> memref<256xi32, #tpu.memory_space<vmem>>
      %dma_wait3A_469 = arith.constant 0 : i32
      %dma_wait3A_470 = arith.constant 0 : i32
      %dma_wait3A_471 = tpu.memref_slice %arg27[%dma_wait3A_469, %dma_wait3A_470] : memref<100352x8xf32, #tpu.memory_space<vmem_shared>> -> memref<100352x8xf32, #tpu.memory_space<vmem_shared>>
      tpu.wait_indirect_dma semaphore(%arg32 : memref<!tpu.dma_semaphore, #tpu.memory_space<semaphore_mem>>) src(%arg18 : memref<256x8xf32, #tpu.memory_space<vmem>>) dst(%dma_wait3A_471 : memref<100352x8xf32, #tpu.memory_space<vmem_shared>>)
      %add3A_472 = arith.constant 16 : i32
      %add3A_473 = arith.addi %add3A_43, %add3A_472 : i32
      %dma_start3A_474 = arith.constant 0 : i32
      %dma_start3A_475 = tpu.memref_slice %arg3[%add3A_473, %dma_start3A_474] : memref<25096x256xi32, #tpu.memory_space<hbm>> -> memref<8x256xi32, #tpu.memory_space<hbm>>
      %dma_start3A_476 = arith.constant 0 : i32
      %dma_start3A_477 = tpu.memref_slice %arg3[%add3A_473, %dma_start3A_476] : memref<25096x256xi32, #tpu.memory_space<hbm>> -> memref<8x256xi32, #tpu.memory_space<hbm>>
      tpu.enqueue_dma source(%dma_start3A_477 : memref<8x256xi32, #tpu.memory_space<hbm>>) target(%arg7 : memref<8x256xi32, #tpu.memory_space<vmem>>) target_semaphore(%arg28 : memref<!tpu.dma_semaphore, #tpu.memory_space<semaphore_mem>>)
      %dma_start3A_478 = arith.constant 0 : i32
      %dma_start3A_479 = tpu.memref_slice %arg4[%add3A_473, %dma_start3A_478] : memref<25096x256xi32, #tpu.memory_space<hbm>> -> memref<8x256xi32, #tpu.memory_space<hbm>>
      %dma_start3A_480 = arith.constant 0 : i32
      %dma_start3A_481 = tpu.memref_slice %arg4[%add3A_473, %dma_start3A_480] : memref<25096x256xi32, #tpu.memory_space<hbm>> -> memref<8x256xi32, #tpu.memory_space<hbm>>
      tpu.enqueue_dma source(%dma_start3A_481 : memref<8x256xi32, #tpu.memory_space<hbm>>) target(%arg8 : memref<8x256xi32, #tpu.memory_space<vmem>>) target_semaphore(%arg28 : memref<!tpu.dma_semaphore, #tpu.memory_space<semaphore_mem>>)
      %dma_wait3A_482 = arith.constant 0 : i32
      %dma_wait3A_483 = arith.constant 0 : i32
      %dma_wait3A_484 = tpu.memref_slice %arg10[%dma_wait3A_482, %dma_wait3A_483] : memref<8x256xi32, #tpu.memory_space<vmem>> -> memref<1x256xi32, #tpu.memory_space<vmem>>
      %dma_wait3A_485 = tpu.memref_squeeze %dma_wait3A_484 : memref<1x256xi32, #tpu.memory_space<vmem>> -> memref<256xi32, #tpu.memory_space<vmem>>
      %dma_wait3A_486 = arith.constant 0 : i32
      %dma_wait3A_487 = arith.constant 0 : i32
      %dma_wait3A_488 = tpu.memref_slice %arg27[%dma_wait3A_486, %dma_wait3A_487] : memref<100352x8xf32, #tpu.memory_space<vmem_shared>> -> memref<100352x8xf32, #tpu.memory_space<vmem_shared>>
      tpu.wait_indirect_dma semaphore(%arg33 : memref<!tpu.dma_semaphore, #tpu.memory_space<semaphore_mem>>) src(%arg19 : memref<256x8xf32, #tpu.memory_space<vmem>>) dst(%dma_wait3A_488 : memref<100352x8xf32, #tpu.memory_space<vmem_shared>>)
      %dma_wait3A_489 = arith.constant 1 : i32
      %dma_wait3A_490 = arith.constant 0 : i32
      %dma_wait3A_491 = tpu.memref_slice %arg10[%dma_wait3A_489, %dma_wait3A_490] : memref<8x256xi32, #tpu.memory_space<vmem>> -> memref<1x256xi32, #tpu.memory_space<vmem>>
      %dma_wait3A_492 = tpu.memref_squeeze %dma_wait3A_491 : memref<1x256xi32, #tpu.memory_space<vmem>> -> memref<256xi32, #tpu.memory_space<vmem>>
      %dma_wait3A_493 = arith.constant 0 : i32
      %dma_wait3A_494 = arith.constant 0 : i32
      %dma_wait3A_495 = tpu.memref_slice %arg27[%dma_wait3A_493, %dma_wait3A_494] : memref<100352x8xf32, #tpu.memory_space<vmem_shared>> -> memref<100352x8xf32, #tpu.memory_space<vmem_shared>>
      tpu.wait_indirect_dma semaphore(%arg33 : memref<!tpu.dma_semaphore, #tpu.memory_space<semaphore_mem>>) src(%arg20 : memref<256x8xf32, #tpu.memory_space<vmem>>) dst(%dma_wait3A_495 : memref<100352x8xf32, #tpu.memory_space<vmem_shared>>)
      %dma_wait3A_496 = arith.constant 2 : i32
      %dma_wait3A_497 = arith.constant 0 : i32
      %dma_wait3A_498 = tpu.memref_slice %arg10[%dma_wait3A_496, %dma_wait3A_497] : memref<8x256xi32, #tpu.memory_space<vmem>> -> memref<1x256xi32, #tpu.memory_space<vmem>>
      %dma_wait3A_499 = tpu.memref_squeeze %dma_wait3A_498 : memref<1x256xi32, #tpu.memory_space<vmem>> -> memref<256xi32, #tpu.memory_space<vmem>>
      %dma_wait3A_500 = arith.constant 0 : i32
      %dma_wait3A_501 = arith.constant 0 : i32
      %dma_wait3A_502 = tpu.memref_slice %arg27[%dma_wait3A_500, %dma_wait3A_501] : memref<100352x8xf32, #tpu.memory_space<vmem_shared>> -> memref<100352x8xf32, #tpu.memory_space<vmem_shared>>
      tpu.wait_indirect_dma semaphore(%arg33 : memref<!tpu.dma_semaphore, #tpu.memory_space<semaphore_mem>>) src(%arg21 : memref<256x8xf32, #tpu.memory_space<vmem>>) dst(%dma_wait3A_502 : memref<100352x8xf32, #tpu.memory_space<vmem_shared>>)
      %dma_wait3A_503 = arith.constant 3 : i32
      %dma_wait3A_504 = arith.constant 0 : i32
      %dma_wait3A_505 = tpu.memref_slice %arg10[%dma_wait3A_503, %dma_wait3A_504] : memref<8x256xi32, #tpu.memory_space<vmem>> -> memref<1x256xi32, #tpu.memory_space<vmem>>
      %dma_wait3A_506 = tpu.memref_squeeze %dma_wait3A_505 : memref<1x256xi32, #tpu.memory_space<vmem>> -> memref<256xi32, #tpu.memory_space<vmem>>
      %dma_wait3A_507 = arith.constant 0 : i32
      %dma_wait3A_508 = arith.constant 0 : i32
      %dma_wait3A_509 = tpu.memref_slice %arg27[%dma_wait3A_507, %dma_wait3A_508] : memref<100352x8xf32, #tpu.memory_space<vmem_shared>> -> memref<100352x8xf32, #tpu.memory_space<vmem_shared>>
      tpu.wait_indirect_dma semaphore(%arg33 : memref<!tpu.dma_semaphore, #tpu.memory_space<semaphore_mem>>) src(%arg22 : memref<256x8xf32, #tpu.memory_space<vmem>>) dst(%dma_wait3A_509 : memref<100352x8xf32, #tpu.memory_space<vmem_shared>>)
      %dma_wait3A_510 = arith.constant 4 : i32
      %dma_wait3A_511 = arith.constant 0 : i32
      %dma_wait3A_512 = tpu.memref_slice %arg10[%dma_wait3A_510, %dma_wait3A_511] : memref<8x256xi32, #tpu.memory_space<vmem>> -> memref<1x256xi32, #tpu.memory_space<vmem>>
      %dma_wait3A_513 = tpu.memref_squeeze %dma_wait3A_512 : memref<1x256xi32, #tpu.memory_space<vmem>> -> memref<256xi32, #tpu.memory_space<vmem>>
      %dma_wait3A_514 = arith.constant 0 : i32
      %dma_wait3A_515 = arith.constant 0 : i32
      %dma_wait3A_516 = tpu.memref_slice %arg27[%dma_wait3A_514, %dma_wait3A_515] : memref<100352x8xf32, #tpu.memory_space<vmem_shared>> -> memref<100352x8xf32, #tpu.memory_space<vmem_shared>>
      tpu.wait_indirect_dma semaphore(%arg33 : memref<!tpu.dma_semaphore, #tpu.memory_space<semaphore_mem>>) src(%arg23 : memref<256x8xf32, #tpu.memory_space<vmem>>) dst(%dma_wait3A_516 : memref<100352x8xf32, #tpu.memory_space<vmem_shared>>)
      %dma_wait3A_517 = arith.constant 5 : i32
      %dma_wait3A_518 = arith.constant 0 : i32
      %dma_wait3A_519 = tpu.memref_slice %arg10[%dma_wait3A_517, %dma_wait3A_518] : memref<8x256xi32, #tpu.memory_space<vmem>> -> memref<1x256xi32, #tpu.memory_space<vmem>>
      %dma_wait3A_520 = tpu.memref_squeeze %dma_wait3A_519 : memref<1x256xi32, #tpu.memory_space<vmem>> -> memref<256xi32, #tpu.memory_space<vmem>>
      %dma_wait3A_521 = arith.constant 0 : i32
      %dma_wait3A_522 = arith.constant 0 : i32
      %dma_wait3A_523 = tpu.memref_slice %arg27[%dma_wait3A_521, %dma_wait3A_522] : memref<100352x8xf32, #tpu.memory_space<vmem_shared>> -> memref<100352x8xf32, #tpu.memory_space<vmem_shared>>
      tpu.wait_indirect_dma semaphore(%arg33 : memref<!tpu.dma_semaphore, #tpu.memory_space<semaphore_mem>>) src(%arg24 : memref<256x8xf32, #tpu.memory_space<vmem>>) dst(%dma_wait3A_523 : memref<100352x8xf32, #tpu.memory_space<vmem_shared>>)
      %dma_wait3A_524 = arith.constant 6 : i32
      %dma_wait3A_525 = arith.constant 0 : i32
      %dma_wait3A_526 = tpu.memref_slice %arg10[%dma_wait3A_524, %dma_wait3A_525] : memref<8x256xi32, #tpu.memory_space<vmem>> -> memref<1x256xi32, #tpu.memory_space<vmem>>
      %dma_wait3A_527 = tpu.memref_squeeze %dma_wait3A_526 : memref<1x256xi32, #tpu.memory_space<vmem>> -> memref<256xi32, #tpu.memory_space<vmem>>
      %dma_wait3A_528 = arith.constant 0 : i32
      %dma_wait3A_529 = arith.constant 0 : i32
      %dma_wait3A_530 = tpu.memref_slice %arg27[%dma_wait3A_528, %dma_wait3A_529] : memref<100352x8xf32, #tpu.memory_space<vmem_shared>> -> memref<100352x8xf32, #tpu.memory_space<vmem_shared>>
      tpu.wait_indirect_dma semaphore(%arg33 : memref<!tpu.dma_semaphore, #tpu.memory_space<semaphore_mem>>) src(%arg25 : memref<256x8xf32, #tpu.memory_space<vmem>>) dst(%dma_wait3A_530 : memref<100352x8xf32, #tpu.memory_space<vmem_shared>>)
      %dma_wait3A_531 = arith.constant 7 : i32
      %dma_wait3A_532 = arith.constant 0 : i32
      %dma_wait3A_533 = tpu.memref_slice %arg10[%dma_wait3A_531, %dma_wait3A_532] : memref<8x256xi32, #tpu.memory_space<vmem>> -> memref<1x256xi32, #tpu.memory_space<vmem>>
      %dma_wait3A_534 = tpu.memref_squeeze %dma_wait3A_533 : memref<1x256xi32, #tpu.memory_space<vmem>> -> memref<256xi32, #tpu.memory_space<vmem>>
      %dma_wait3A_535 = arith.constant 0 : i32
      %dma_wait3A_536 = arith.constant 0 : i32
      %dma_wait3A_537 = tpu.memref_slice %arg27[%dma_wait3A_535, %dma_wait3A_536] : memref<100352x8xf32, #tpu.memory_space<vmem_shared>> -> memref<100352x8xf32, #tpu.memory_space<vmem_shared>>
      tpu.wait_indirect_dma semaphore(%arg33 : memref<!tpu.dma_semaphore, #tpu.memory_space<semaphore_mem>>) src(%arg26 : memref<256x8xf32, #tpu.memory_space<vmem>>) dst(%dma_wait3A_537 : memref<100352x8xf32, #tpu.memory_space<vmem_shared>>)
    }
    %scan3A_18 = arith.constant 49 : i32
    %dma_wait3A = arith.constant 0 : i32
    %dma_wait3A_19 = arith.constant 0 : i32
    %dma_wait3A_20 = tpu.memref_slice %arg3[%dma_wait3A, %dma_wait3A_19] : memref<25096x256xi32, #tpu.memory_space<hbm>> -> memref<8x256xi32, #tpu.memory_space<hbm>>
    %dma_wait3A_21 = arith.constant 0 : i32
    %dma_wait3A_22 = arith.constant 0 : i32
    %dma_wait3A_23 = tpu.memref_slice %arg3[%dma_wait3A_21, %dma_wait3A_22] : memref<25096x256xi32, #tpu.memory_space<hbm>> -> memref<8x256xi32, #tpu.memory_space<hbm>>
    tpu.wait_dma2 semaphore(%arg28 : memref<!tpu.dma_semaphore, #tpu.memory_space<semaphore_mem>>) src(%dma_wait3A_23 : memref<8x256xi32, #tpu.memory_space<hbm>>) dst(%arg7 : memref<8x256xi32, #tpu.memory_space<vmem>>)
    %dma_wait3A_24 = arith.constant 0 : i32
    %dma_wait3A_25 = arith.constant 0 : i32
    %dma_wait3A_26 = tpu.memref_slice %arg4[%dma_wait3A_24, %dma_wait3A_25] : memref<25096x256xi32, #tpu.memory_space<hbm>> -> memref<8x256xi32, #tpu.memory_space<hbm>>
    %dma_wait3A_27 = arith.constant 0 : i32
    %dma_wait3A_28 = arith.constant 0 : i32
    %dma_wait3A_29 = tpu.memref_slice %arg4[%dma_wait3A_27, %dma_wait3A_28] : memref<25096x256xi32, #tpu.memory_space<hbm>> -> memref<8x256xi32, #tpu.memory_space<hbm>>
    tpu.wait_dma2 semaphore(%arg28 : memref<!tpu.dma_semaphore, #tpu.memory_space<semaphore_mem>>) src(%dma_wait3A_29 : memref<8x256xi32, #tpu.memory_space<hbm>>) dst(%arg8 : memref<8x256xi32, #tpu.memory_space<vmem>>)
    %barrier3A_30 = arith.constant 0 : index
    tpu.barrier barrier_id(%barrier3A_30)
    %mul3A_31 = arith.constant 6272 : i32
    %mul3A_32 = arith.muli %arg1, %mul3A_31 : i32
    %mul3A_33 = arith.constant 100352 : i32
    %mul3A_34 = arith.muli %arg0, %mul3A_33 : i32
    %mul3A_35 = arith.constant 6272 : i32
    %mul3A_36 = arith.muli %arg1, %mul3A_35 : i32
    %add3A_37 = arith.addi %mul3A_34, %mul3A_36 : i32
    "tpu.region"() ({
      %run_scoped3A = tpu.sem_alloc : memref<!tpu.dma_semaphore, #tpu.memory_space<semaphore_mem>>
      %dma_start3A_38 = arith.constant 0 : i32
      %dma_start3A_39 = tpu.memref_slice %arg6[%add3A_37, %dma_start3A_38] : memref<200704x8xf32, #tpu.memory_space<hbm>> -> memref<6272x8xf32, #tpu.memory_space<hbm>>
      %dma_start3A_40 = arith.constant 0 : i32
      %dma_start3A_41 = tpu.memref_slice %arg27[%mul3A_32, %dma_start3A_40] : memref<100352x8xf32, #tpu.memory_space<vmem_shared>> -> memref<6272x8xf32, #tpu.memory_space<vmem_shared>>
      tpu.enqueue_dma source(%dma_start3A_41 : memref<6272x8xf32, #tpu.memory_space<vmem_shared>>) target(%dma_start3A_39 : memref<6272x8xf32, #tpu.memory_space<hbm>>) target_semaphore(%run_scoped3A : memref<!tpu.dma_semaphore, #tpu.memory_space<semaphore_mem>>)
      %dma_wait3A_42 = arith.constant 0 : i32
      %dma_wait3A_43 = tpu.memref_slice %arg6[%add3A_37, %dma_wait3A_42] : memref<200704x8xf32, #tpu.memory_space<hbm>> -> memref<6272x8xf32, #tpu.memory_space<hbm>>
      %dma_wait3A_44 = arith.constant 0 : i32
      %dma_wait3A_45 = tpu.memref_slice %arg27[%mul3A_32, %dma_wait3A_44] : memref<100352x8xf32, #tpu.memory_space<vmem_shared>> -> memref<6272x8xf32, #tpu.memory_space<vmem_shared>>
      tpu.wait_dma2 semaphore(%run_scoped3A : memref<!tpu.dma_semaphore, #tpu.memory_space<semaphore_mem>>) src(%dma_wait3A_45 : memref<6272x8xf32, #tpu.memory_space<vmem_shared>>) dst(%dma_wait3A_43 : memref<6272x8xf32, #tpu.memory_space<hbm>>)
      tpu.yield
    }) : () -> ()
    return
  }
}

module attributes {stable_mosaic.version = 14 : i64} {
  func.func @head_kernel(%arg0: i32, %arg1: memref<2x2048x8xf32, #tpu.memory_space<vmem>>, %arg2: memref<2048x4xf32, #tpu.memory_space<vmem>>, %arg3: memref<4x32xf32, #tpu.memory_space<vmem>>, %arg4: memref<8x32xf32, #tpu.memory_space<vmem>>, %arg5: memref<1x32xf32, #tpu.memory_space<vmem>>, %arg6: memref<32x8xf32, #tpu.memory_space<vmem>>, %arg7: memref<1x8xf32, #tpu.memory_space<vmem>>, %arg8: memref<2048x8xf32, #tpu.memory_space<vmem>>) attributes {dimension_semantics = [#tpu.dimension_semantics<arbitrary>], iteration_bounds = array<i64: 49>, scalar_prefetch = 0 : i64, scratch_operands = 0 : i64, tpu.core_type = #tpu.core_type<tc>, window_params = [{transform_indices = @transform_0, window_bounds = array<i64: 2, 2048, 8>}, {transform_indices = @transform_1, window_bounds = array<i64: 2048, 4>}, {pipeline_mode = #tpu.pipeline_mode<synchronous>, transform_indices = @transform_2, window_bounds = array<i64: 4, 32>}, {pipeline_mode = #tpu.pipeline_mode<synchronous>, transform_indices = @transform_3, window_bounds = array<i64: 8, 32>}, {pipeline_mode = #tpu.pipeline_mode<synchronous>, transform_indices = @transform_4, window_bounds = array<i64: 1, 32>}, {pipeline_mode = #tpu.pipeline_mode<synchronous>, transform_indices = @transform_5, window_bounds = array<i64: 32, 8>}, {pipeline_mode = #tpu.pipeline_mode<synchronous>, transform_indices = @transform_6, window_bounds = array<i64: 1, 8>}, {transform_indices = @transform_7, window_bounds = array<i64: 2048, 8>}]} {
    %get3A = arith.constant 0 : index
    %get3A_0 = arith.constant 0 : index
    %get3A_1 = arith.constant 0 : index
    %get3A_2 = vector.load %arg1[%get3A, %get3A_0, %get3A_1] : memref<2x2048x8xf32, #tpu.memory_space<vmem>>, vector<1x2048x8xf32>
    %get3A_3 = vector.shape_cast %get3A_2 : vector<1x2048x8xf32> to vector<2048x8xf32>
    %get3A_4 = arith.constant 1 : index
    %get3A_5 = arith.constant 0 : index
    %get3A_6 = arith.constant 0 : index
    %get3A_7 = vector.load %arg1[%get3A_4, %get3A_5, %get3A_6] : memref<2x2048x8xf32, #tpu.memory_space<vmem>>, vector<1x2048x8xf32>
    %get3A_8 = vector.shape_cast %get3A_7 : vector<1x2048x8xf32> to vector<2048x8xf32>
    %add3A = arith.addf %get3A_3, %get3A_8 : vector<2048x8xf32>
    %slice3A = vector.extract_strided_slice %add3A {offsets = [0, 2], sizes = [2048, 1], strides = [1, 1]} : vector<2048x8xf32> to vector<2048x1xf32>
    %max3A = arith.constant 1.000000e+00 : f32
    %max3A_9 = vector.broadcast %max3A : f32 to vector<2048x1xf32>
    %max3A_10 = arith.maximumf %slice3A, %max3A_9 : vector<2048x1xf32>
    %div3A = vector.broadcast %max3A_10 : vector<2048x1xf32> to vector<2048x8xf32>
    %div3A_11 = arith.divf %add3A, %div3A : vector<2048x8xf32>
    %get3A_12 = arith.constant 0 : index
    %get3A_13 = arith.constant 0 : index
    %get3A_14 = vector.load %arg2[%get3A_12, %get3A_13] : memref<2048x4xf32, #tpu.memory_space<vmem>>, vector<2048x4xf32>
    %get3A_15 = arith.constant 0 : index
    %get3A_16 = arith.constant 0 : index
    %get3A_17 = vector.load %arg3[%get3A_15, %get3A_16] : memref<4x32xf32, #tpu.memory_space<vmem>>, vector<4x32xf32>
    %dot_general3A = arith.constant dense<0.000000e+00> : vector<2048x32xf32>
    %dot_general3A_18 = tpu.matmul %get3A_14, %get3A_17, %dot_general3A {dimension_numbers = #tpu.dot_dimension_numbers<[1], [0], [0], [1], [0, 0, 1, 1], [], []>, transpose_lhs_hint = false} : vector<2048x4xf32>, vector<4x32xf32>, vector<2048x32xf32> -> vector<2048x32xf32>
    %get3A_19 = arith.constant 0 : index
    %get3A_20 = arith.constant 0 : index
    %get3A_21 = vector.load %arg4[%get3A_19, %get3A_20] : memref<8x32xf32, #tpu.memory_space<vmem>>, vector<8x32xf32>
    %dot_general3A_22 = arith.constant dense<0.000000e+00> : vector<2048x32xf32>
    %dot_general3A_23 = tpu.matmul %div3A_11, %get3A_21, %dot_general3A_22 {dimension_numbers = #tpu.dot_dimension_numbers<[1], [0], [0], [1], [0, 0, 1, 1], [], []>, transpose_lhs_hint = false} : vector<2048x8xf32>, vector<8x32xf32>, vector<2048x32xf32> -> vector<2048x32xf32>
    %add3A_24 = arith.addf %dot_general3A_18, %dot_general3A_23 : vector<2048x32xf32>
    %get3A_25 = arith.constant 0 : index
    %get3A_26 = arith.constant 0 : index
    %get3A_27 = vector.load %arg5[%get3A_25, %get3A_26] : memref<1x32xf32, #tpu.memory_space<vmem>>, vector<1x32xf32>
    %add3A_28 = vector.broadcast %get3A_27 : vector<1x32xf32> to vector<2048x32xf32>
    %add3A_29 = arith.addf %add3A_24, %add3A_28 : vector<2048x32xf32>
    %tanh3A = math.tanh %add3A_29 : vector<2048x32xf32>
    %get3A_30 = arith.constant 0 : index
    %get3A_31 = arith.constant 0 : index
    %get3A_32 = vector.load %arg6[%get3A_30, %get3A_31] : memref<32x8xf32, #tpu.memory_space<vmem>>, vector<32x8xf32>
    %dot_general3A_33 = arith.constant dense<0.000000e+00> : vector<2048x8xf32>
    %dot_general3A_34 = tpu.matmul %tanh3A, %get3A_32, %dot_general3A_33 {dimension_numbers = #tpu.dot_dimension_numbers<[1], [0], [0], [1], [0, 0, 1, 1], [], []>, transpose_lhs_hint = false} : vector<2048x32xf32>, vector<32x8xf32>, vector<2048x8xf32> -> vector<2048x8xf32>
    %get3A_35 = arith.constant 0 : index
    %get3A_36 = arith.constant 0 : index
    %get3A_37 = vector.load %arg7[%get3A_35, %get3A_36] : memref<1x8xf32, #tpu.memory_space<vmem>>, vector<1x8xf32>
    %add3A_38 = vector.broadcast %get3A_37 : vector<1x8xf32> to vector<2048x8xf32>
    %add3A_39 = arith.addf %dot_general3A_34, %add3A_38 : vector<2048x8xf32>
    %slice3A_40 = vector.extract_strided_slice %add3A_39 {offsets = [0, 0], sizes = [2048, 1], strides = [1, 1]} : vector<2048x8xf32> to vector<2048x1xf32>
    %slice3A_41 = vector.extract_strided_slice %add3A_39 {offsets = [0, 1], sizes = [2048, 1], strides = [1, 1]} : vector<2048x8xf32> to vector<2048x1xf32>
    %atan23A = math.atan2 %slice3A_40, %slice3A_41 : vector<2048x1xf32>
    %jit3A = arith.constant 6.28318548 : f32
    %rem3A = vector.broadcast %jit3A : f32 to vector<2048x1xf32>
    %rem3A_42 = arith.remf %atan23A, %rem3A : vector<2048x1xf32>
    %ne3A = arith.constant 0.000000e+00 : f32
    %ne3A_43 = vector.broadcast %ne3A : f32 to vector<2048x1xf32>
    %ne3A_44 = arith.cmpf one, %rem3A_42, %ne3A_43 : vector<2048x1xf32>
    %lt3A = arith.constant 0.000000e+00 : f32
    %lt3A_45 = vector.broadcast %lt3A : f32 to vector<2048x1xf32>
    %lt3A_46 = arith.cmpf olt, %rem3A_42, %lt3A_45 : vector<2048x1xf32>
    %lt3A_47 = arith.constant 0.000000e+00 : f32
    %lt3A_48 = arith.cmpf olt, %jit3A, %lt3A_47 : f32
    %ne3A_49 = vector.broadcast %lt3A_48 : i1 to vector<2048x1xi1>
    %ne3A_50 = vector.broadcast %ne3A_49 : vector<2048x1xi1> to vector<2048x1xi1>
    %ne3A_51 = arith.xori %lt3A_46, %ne3A_50 : vector<2048x1xi1>
    %and3A = arith.andi %ne3A_51, %ne3A_44 : vector<2048x1xi1>
    %add3A_52 = vector.broadcast %jit3A : f32 to vector<2048x1xf32>
    %add3A_53 = arith.addf %rem3A_42, %add3A_52 : vector<2048x1xf32>
    %select_n3A = arith.select %and3A, %add3A_53, %rem3A_42 : vector<2048x1xi1>, vector<2048x1xf32>
    %div3A_54 = arith.constant 0.785398185 : f32
    %div3A_55 = vector.broadcast %div3A_54 : f32 to vector<2048x1xf32>
    %div3A_56 = arith.divf %select_n3A, %div3A_55 : vector<2048x1xf32>
    %floor3A = math.floor %div3A_56 : vector<2048x1xf32>
    %jit3A_57 = arith.constant 0 : i32
    %jit3A_58 = arith.constant 7 : i32
    %convert_element_type3A = arith.sitofp %jit3A_57 : i32 to f32
    %max3A_59 = vector.broadcast %convert_element_type3A : f32 to vector<2048x1xf32>
    %max3A_60 = arith.maximumf %max3A_59, %floor3A : vector<2048x1xf32>
    %convert_element_type3A_61 = arith.sitofp %jit3A_58 : i32 to f32
    %min3A = vector.broadcast %convert_element_type3A_61 : f32 to vector<2048x1xf32>
    %min3A_62 = arith.minimumf %min3A, %max3A_60 : vector<2048x1xf32>
    %convert_element_type3A_63 = arith.fptosi %min3A_62 : vector<2048x1xf32> to vector<2048x1xi32>
    %iota3A = tpu.iota {dimensions = array<i32: 1>} : vector<2048x8xi32>
    %eq3A = vector.broadcast %convert_element_type3A_63 : vector<2048x1xi32> to vector<2048x8xi32>
    %eq3A_64 = arith.cmpi eq, %iota3A, %eq3A : vector<2048x8xi32>
    %jit3A_65 = arith.constant 0.000000e+00 : f32
    %jit3A_66 = arith.constant -1.000000e+03 : f32
    %broadcast_in_dim3A = vector.broadcast %jit3A_65 : f32 to vector<2048x8xf32>
    %broadcast_in_dim3A_67 = vector.broadcast %jit3A_66 : f32 to vector<2048x8xf32>
    %select_n3A_68 = arith.select %eq3A_64, %broadcast_in_dim3A, %broadcast_in_dim3A_67 : vector<2048x8xi1>, vector<2048x8xf32>
    %swap3A = arith.constant 0 : index
    %swap3A_69 = arith.constant 0 : index
    %swap3A_70 = vector.load %arg8[%swap3A, %swap3A_69] : memref<2048x8xf32, #tpu.memory_space<vmem>>, vector<2048x8xf32>
    tpu.vector_store %arg8[%swap3A, %swap3A_69], %select_n3A_68 {strides = array<i32>} : memref<2048x8xf32, #tpu.memory_space<vmem>>, vector<2048x8xf32>,
    return
  }
  func.func @transform_0(%arg0: i32) -> (i32, i32, i32) {
    %c0_i32 = arith.constant 0 : i32
    %c0_i32_0 = arith.constant 0 : i32
    %c0_i32_1 = arith.constant 0 : i32
    return %c0_i32, %arg0, %c0_i32_0 : i32, i32, i32
  }
  func.func @transform_1(%arg0: i32) -> (i32, i32) {
    %c0_i32 = arith.constant 0 : i32
    %c0_i32_0 = arith.constant 0 : i32
    return %arg0, %c0_i32 : i32, i32
  }
  func.func @transform_2(%arg0: i32) -> (i32, i32) {
    %c0_i32 = arith.constant 0 : i32
    %c0_i32_0 = arith.constant 0 : i32
    %c0_i32_1 = arith.constant 0 : i32
    return %c0_i32, %c0_i32_0 : i32, i32
  }
  func.func @transform_3(%arg0: i32) -> (i32, i32) {
    %c0_i32 = arith.constant 0 : i32
    %c0_i32_0 = arith.constant 0 : i32
    %c0_i32_1 = arith.constant 0 : i32
    return %c0_i32, %c0_i32_0 : i32, i32
  }
  func.func @transform_4(%arg0: i32) -> (i32, i32) {
    %c0_i32 = arith.constant 0 : i32
    %c0_i32_0 = arith.constant 0 : i32
    %c0_i32_1 = arith.constant 0 : i32
    return %c0_i32, %c0_i32_0 : i32, i32
  }
  func.func @transform_5(%arg0: i32) -> (i32, i32) {
    %c0_i32 = arith.constant 0 : i32
    %c0_i32_0 = arith.constant 0 : i32
    %c0_i32_1 = arith.constant 0 : i32
    return %c0_i32, %c0_i32_0 : i32, i32
  }
  func.func @transform_6(%arg0: i32) -> (i32, i32) {
    %c0_i32 = arith.constant 0 : i32
    %c0_i32_0 = arith.constant 0 : i32
    %c0_i32_1 = arith.constant 0 : i32
    return %c0_i32, %c0_i32_0 : i32, i32
  }
  func.func @transform_7(%arg0: i32) -> (i32, i32) {
    %c0_i32 = arith.constant 0 : i32
    %c0_i32_0 = arith.constant 0 : i32
    return %arg0, %c0_i32 : i32, i32
  }
}

</mosaic_0001>

<sc_bundles>
// kernel: kernel.4.cloned.1.call-start
scs
__scs_entry_jumppad:
0x0: {  	(pc) =	sbr.rel $0x88, $3  }
0x1: {  	(tag) =	ssettag $0x0;
	lr =	simm.s32 $0x1  }
0x2: {  	[smem:$0x3F9B] =	sst lr;
	_ =	strace $0xD0000000  }
0x3: {  	_ = 	snop  }
0x4: {  	_ = 	snop  }
0x5: {  	_ = 	snop  }
0x6: {  	_ = 	snop  }
0x7: {  	_ = 	snop  }
__scs_overlays_trampoline_lowered:
0x8: {  	[smem:$0x3FAA] =	sst s0  }
0x9: {  	[smem:$0x3FAB] =	sst s1  }
0xa: {  	[smem:$0x3FAC] =	sst s2  }
0xb: {  	[smem:$0x3FAD] =	sst s3  }
0xc: {  	[smem:$0x3FAE] =	sst s4  }
0xd: {  	[smem:$0x3FAF] =	sst s5  }
0xe: {  	[smem:$0x3FB0] =	sst s6  }
0xf: {  	[smem:$0x3FB1] =	sst s7  }
0x10: {  	[smem:$0x3FB2] =	sst s8  }
0x11: {  	[smem:$0x3FB3] =	sst s9;
	s0 =	simm.s32 @!p0 $0x0  }
0x12: {  	s1 =	sld [smem:$0x3F99];
	s0 =	simm.s32 @p0 $0x1  }
0x13: {  	[smem:$0x3FB4] =	sst s0;
	s0 =	simm.s32 @!p1 $0x0  }
0x14: {  	s2 =	sld [smem:$0x3F98];
	s0 =	simm.s32 @p1 $0x1  }
0x15: {  	[smem:$0x3FB5] =	sst s0;
	s0 =	simm.s32 @!p2 $0x0  }
0x16: {  	s3 =	sld [smem:$0x3FDB];
	s0 =	simm.s32 @p2 $0x1  }
0x17: {  	s4 =	simm.s32 $0x1BF5;
	[smem:$0x3FB7] =	sst s0  }
0x18: {  	s0 =	sld [smem:$0x3F9A];
	_ =	swait.ge [sflag:s4], $0x0  }
0x19: {  	s7 =	sld [smem:$0x3F9B]  }
0x1a: {  	s8 =	sadd.s32 $0xFFFFE003, lr  }
0x1b: {  	s9 =	sadd.s32 $0xFFFFFEF7, lr;
	s5 =	simm.s32 $0xFFFFFFFF;
	p2 =	slt.u32 s8, $0xFFFFF086  }
0x1c: {  	p1 =	slt.u32 s9, $0xF7A;
	s5 =	simm.s32 @!p2 $0x0  }
0x1d: {  	s5 =	simm.s32 @p1 $0x1;
	p0 =	seq.s32 s7, s2  }
0x1e: {  	s7 =	smul.u32 @!p0 $0xF7A, s2;
	p2 =	seq.s32 @!p0 s5, $0x0  }
0x1f: {  	s9 =	smul.u32 $0xF7A, s1;
	s8 =	simm.s32 @!p0 $0x1BF5;
	p2 =	por !p2, p0  }
0x20: {  	[sflag:s8] =	ssyncset.s32 @!p0 $0xFFFFF086;
	s6 =	sadd.s32 @!p0 s3, s7;
	s7 =	simm.s32 @!p0 $0x108  }
0x21: {  	s3 =	sadd.s32 s3, s9;
	s6 =	sadd.s32 @!p0 $0x88, s6;
	s7 =	simm.s32 @p2 $0x1082  }
0x22: {  	[simem:s7], [sflag:s8] =	dma.local @!p0 [hbm:s6], $0xF7A  }
0x23: {  	s9 =	sor.u32 $0xD0000000, s2;
	s6 =	simm.s32 $0x108;
	_ =	swait.ge @!p0 [sflag:s8], $0x0  }
0x24: {  	s3 =	sadd.s32 $0x88, s3;
	s6 =	simm.s32 @!p1 $0x1082;
	[sflag:s4] =	ssyncset.s32 $0xFFFFF086  }
0x25: {  	[simem:s6], [sflag:s4] =	dma.local [hbm:s3], $0xF7A  }
0x26: {  	[smem:$0x3F9B] =	sst s1;
	(tag) =	ssettag s2;
	_ =	strace s9  }
0x27: {  	s1 =	sld [smem:$0x3FAB]  }
0x28: {  	s2 =	sld [smem:$0x3FAC]  }
0x29: {  	s4 =	sld [smem:$0x3FAE]  }
0x2a: {  	p0 =	seq.s32 s5, $0x0;
	s5 =	sld [smem:$0x3FAF]  }
0x2b: {  	s6 =	sld [smem:$0x3FB0]  }
0x2c: {  	s7 =	sld [smem:$0x3FB1]  }
0x2d: {  	s3 =	simm.s32 $0x108;
	s8 =	sld [smem:$0x3FB2]  }
0x2e: {  	s3 =	simm.s32 @!p0 $0x1082;
	s9 =	sld [smem:$0x3FB3]  }
0x2f: {  	lr =	sadd.s32 s0, s3;
	s0 =	sld [smem:$0x3FAA]  }
0x30: {  	s3 =	sld [smem:$0x3FAD]  }
0x31: {  	[smem:$0x3FB6] =	sst s10  }
0x32: {  	s10 =	sld [smem:$0x3FB4];
	_ =	sdelay $0x3  }
0x33: {  	p0 =	seq.s32 s10, $0x1;
	s10 =	sld [smem:$0x3FB6];
	_ =	sdelay $0x3  }
0x34: {  	[smem:$0x3FB6] =	sst s10  }
0x35: {  	s10 =	sld [smem:$0x3FB5];
	_ =	sdelay $0x3  }
0x36: {  	p1 =	seq.s32 s10, $0x1;
	s10 =	sld [smem:$0x3FB6];
	_ =	sdelay $0x3  }
0x37: {  	[smem:$0x3FB6] =	sst s10  }
0x38: {  	s10 =	sld [smem:$0x3FB7]  }
0x39: {  	_ = 	snop;
	(pc) =	sbr.ind lr, $3  }
0x3a: {  	_ = 	snop  }
0x3b: {  	_ = 	snop  }
0x3c: {  	p2 =	seq.s32 s10, $0x1;
	s10 =	sld [smem:$0x3FB6]  }
0x3d: {  	_ =	shalt  }
0x3e: {  	_ =	shalt  }
0x3f: {  	_ =	shalt  }
0x40: {  	_ =	shalt  }
0x41: {  	_ =	shalt  }
0x42: {  	_ =	shalt  }
0x43: {  	_ =	shalt  }
0x44: {  	_ =	shalt  }
0x45: {  	_ =	shalt  }
0x46: {  	_ =	shalt  }
0x47: {  	_ =	shalt  }
0x48: {  	_ =	shalt  }
0x49: {  	_ =	shalt  }
0x4a: {  	_ =	shalt  }
0x4b: {  	_ =	shalt  }
0x4c: {  	_ =	shalt  }
0x4d: {  	_ =	shalt  }
0x4e: {  	_ =	shalt  }
0x4f: {  	_ =	shalt  }
0x50: {  	_ =	shalt  }
0x51: {  	_ =	shalt  }
0x52: {  	_ =	shalt  }
0x53: {  	_ =	shalt  }
0x54: {  	_ =	shalt  }
0x55: {  	_ =	shalt  }
0x56: {  	_ =	shalt  }
0x57: {  	_ =	shalt  }
0x58: {  	_ =	shalt  }
0x59: {  	_ =	shalt  }
0x5a: {  	_ =	shalt  }
0x5b: {  	_ =	shalt  }
0x5c: {  	_ =	shalt  }
0x5d: {  	_ =	shalt  }
0x5e: {  	_ =	shalt  }
0x5f: {  	_ =	shalt  }
0x60: {  	_ =	shalt  }
0x61: {  	_ =	shalt  }
0x62: {  	_ =	shalt  }
0x63: {  	_ =	shalt  }
0x64: {  	_ =	shalt  }
0x65: {  	_ =	shalt  }
0x66: {  	_ =	shalt  }
0x67: {  	_ =	shalt  }
0x68: {  	_ =	shalt  }
0x69: {  	_ =	shalt  }
0x6a: {  	_ =	shalt  }
0x6b: {  	_ =	shalt  }
0x6c: {  	_ =	shalt  }
0x6d: {  	_ =	shalt  }
0x6e: {  	_ =	shalt  }
0x6f: {  	_ =	shalt  }
0x70: {  	_ =	shalt  }
0x71: {  	_ =	shalt  }
0x72: {  	_ =	shalt  }
0x73: {  	_ =	shalt  }
0x74: {  	_ =	shalt  }
0x75: {  	_ =	shalt  }
0x76: {  	_ =	shalt  }
0x77: {  	_ =	shalt  }
0x78: {  	_ =	shalt  }
0x79: {  	_ =	shalt  }
0x7a: {  	_ =	shalt  }
0x7b: {  	_ =	shalt  }
0x7c: {  	_ =	shalt  }
0x7d: {  	_ =	shalt  }
0x7e: {  	_ =	shalt  }
0x7f: {  	_ =	shalt  }
0x80: {  	_ =	shalt  }
0x81: {  	_ =	shalt  }
0x82: {  	_ =	shalt  }
0x83: {  	_ =	shalt  }
0x84: {  	_ =	shalt  }
0x85: {  	_ =	shalt  }
0x86: {  	_ =	shalt  }
0x87: {  	_ =	shalt  }
.Lfunc_end0:
.L_simem_size_0:
called_computation_lowered:
.L_overlay_start_0:
0x88: {  	s2 =	sld [smem:$0x3FD9]  }
0x89: {  	s3 =	sld [smem:$0x3FFE];
	_ =	sdelay $0x1  }
0x8a: {  	s1 =	srdreg.scid  }
0x8b: {  	s0 =	sand.u32 $0x1, s1  }
0x8c: {  	s16 =	sshll.u32 s0, $0xA;
	s2 =	sadd.s32 s3, s2  }
0x8d: {  	s2 =	sadd.s32 s2, s16  }
0x8e: {  	[smem:$0x3FC2] =	sst s2  }
0x8f: {  	_ = 	snop  }
0x90: {  	(tm) =	ssettm $0x1  }
0x91: {  	s17 =	sld [smem:$0x3FFB];
	_ =	sdelay $0x3  }
0x92: {  	_ =	strace s17  }
0x93: {  	s2 =	sld [smem:$0x3FFC];
	_ =	sdelay $0x3  }
0x94: {  	_ =	strace s2  }
0x95: {  	s2 =	sld [smem:$0x3FFD];
	_ =	sdelay $0x3  }
0x96: {  	_ =	strace s2  }
0x97: {  	_ =	strace $0x8FFFFFFF  }
0x98: {  	s18 =	sld [smem:$0x3FDB];
	_ =	sdelay $0x1  }
0x99: {  	s19 =	simm.s32 $_scs_section_size  }
0x9a: {  	s4 =	simm.s32 $_size__tile_overlayer_lowered;
	s5 =	simm.s32 $_tile_overlayer_lowered  }
0x9b: {  	s22 =	simm.s32 $0x1BFF;
	s21 =	sshll.u32 s5, $0x1;
	s2 =	sadd.s32 s19, s18  }
0x9c: {  	s6 =	simm.s32 $0x0;
	s20 =	sshll.u32 s4, $0x1;
	s4 =	sadd.s32 s21, s2  }
0x9d: {  	[timem:s6], [sflag:s22] =	dma.local [hbm:s4], s20  }
0x9e: {  	_ =	swait.ge [sflag:s22], s20  }
0x9f: {  	s3 =	ssub.s32 $0x0, s20;
	[sflag:s22] =	ssyncset.done $0x0  }
0xa0: {  	[sflag:s22] =	ssyncadd.s32 s3;
	_ =	sdelay $0x1  }
0xa1: {  	s23 =	simm.s32 $0x1B8B  }
0xa2: {  	_ =	swait.ge [sflag:s23], $0x1  }
0xa3: {  	[sflag:s23] =	ssyncset.done $0x0  }
0xa4: {  	s25 =	simm.s32 $0x1B8E;
	s24 =	sld [smem:$0x3FFE];
	[sflag:s23] =	ssyncadd.s32 $0xFFFFFFFF  }
0xa5: {  	s26 =	simm.s32 $execute0_lowered;
	[smem:$0x3FD2] =	sst s25  }
0xa6: {  	s4 =	sshll.u32 s26, $0x1;
	_ =	strace $0x80000046;
	[dreg:$0x1] =	wrdreg $0xFFFFFFFF  }
0xa7: {  	s28 =	simm.s32 $_size_execute0_lowered;
	s2 =	sadd.s32 s2, s4;
	[dreg:$0x0] =	wrdreg $0x0  }
0xa8: {  	s4 =	sshll.u32 s28, $0x1;
	[dreg:$0x2] =	wrdreg s2  }
0xa9: {  	[dreg:$0x3] =	wrdreg s4  }
0xaa: {  	[dreg:$0x4] =	wrdreg $0xC0  }
0xab: {  	_ =	task [dreg:s6], $0x5FFFF  }
0xac: {  	[dreg:$0x1] =	wrdreg $0xFFFFFFFF  }
0xad: {  	[dreg:$0x0] =	wrdreg $0x60  }
0xae: {  	[dreg:$0x2] =	wrdreg s24  }
0xaf: {  	[dreg:$0x3] =	wrdreg $0xA0000  }
0xb0: {  	[dreg:$0x4] =	wrdreg $0x9  }
0xb1: {  	_ =	task.clear_ibuf [dreg:s6], $0x5FFFF;
	_ =	strace $0x90000046  }
0xb2: {  	s29 =	simm.s32 $0x9;
	_ =	strace $0x80000048  }
0xb3: {  	_ =	swait.ge [sflag:s29], $0x1  }
0xb4: {  	[sflag:s29] =	ssyncadd.s32 $0xFFFFFFFF  }
0xb5: {  	_ =	strace $0x90000048  }
0xb6: {  	_ =	sfence  }
0xb7: {  	s30 =	sld [smem:$0x0];
	_ =	sdelay $0x2  }
0xb8: {  	s31 =	sshll.u32 s1, $0xD;
	s1 =	sshrl.u32 s1, $0x2  }
0xb9: {  	s3 =	sand.u32 $0x4000, s31;
	s1 =	sadd.s32 s1, s30  }
0xba: {  	s0 =	sor.u32 s3, s0;
	s1 =	sshll.u32 s1, $0x11  }
0xbb: {  	s0 =	sor.u32 s1, s0  }
0xbc: {  	s0 =	sadd.s32 $0x8F2B, s0  }
0xbd: {  	[sflag:s0] =	ssyncadd.remote.s32 $0x1  }
0xbe: {  	_ =	sfence.sel $0xFFFF  }
0xbf: {  	[dreg:$0x0] =	wrdreg $0xFFFFFFFF;
	(pc) =	sbr.abs _section_cstart, $3  }
0xc0: {  	[dreg:$0x1] =	wrdreg $0xFFFFFFFF  }
0xc1: {  	_ =	task.clear_ibuf [dreg:s6], $0x2FFFF;
	_ =	strace $0x9FFFFFFF  }
0xc2: {  	(tm) =	ssettm $0x7FFFFFFF  }
0xc3: {  	_ =	shalt  }
tec
execute0_lowered:
.L_overlay_start_1:
0x0: {  	(tag) =	ssettag $0x1  }
0x1: {  	s0 =	rddreg [dreg:$0x0]  }
0x2: {  	s2 =	rddreg [dreg:$0x1];
	s3 =	simm.s32 $0x0;
	s13 =	stileid.u32  }
0x3: {  	s5 =	srdreg.scid;
	s21 =	simm.s32 $0x200;
	s22 =	simm.s32 $0x300  }
0x4: {  	s23 =	simm.s32 $0x400;
	s25 =	simm.s32 $0x500;
	s26 =	simm.s32 $0x600  }
0x5: {  	s14 =	simm.s32 $0x1200;
	s15 =	simm.s32 $0x1300;
	[smem:$0x7FF] =	sst s3  }
0x6: {  	s16 =	simm.s32 $0x1400;
	_ =	strace $0x80000047;
	[dreg:$0x5] =	wrdreg s21  }
0x7: {  	s28 =	simm.s32 $0x5000;
	s29 =	simm.s32 $0x5800;
	[dreg:$0x6] =	wrdreg s22  }
0x8: {  	s30 =	simm.s32 $0x8000;
	s31 =	simm.s32 $0x8800;
	[dreg:$0x7] =	wrdreg s23  }
0x9: {  	s1 =	smul.u32 $0xC400, s13;
	s4 =	sadd.s32 $0xA00, s0;
	[dreg:$0x8] =	wrdreg s25  }
0xa: {  	s6 =	smul.u32 $0x1880, s13;
	s5 =	sand.u32 $0x1, s5;
	[dreg:$0x9] =	wrdreg s26  }
0xb: {  	s7 =	sadd.s32 $0x1A1400, s0;
	s10 =	sadd.s32 $0xDD200, s0;
	[dreg:$0xc] =	wrdreg s14  }
0xc: {  	s24 =	sshll.u32 s13, $0x1;
	s9 =	smul.u32 $0x6200, s5;
	[dreg:$0xd] =	wrdreg s15  }
0xd: {  	s12 =	ssub.s32 $0x2, s5;
	[dreg:$0xe] =	wrdreg s16;
	s21 =	simm.s32 $0x900  }
0xe: {  	s23 =	simm.s32 $0xA00;
	s15 =	simm.s32 $0x7;
	s25 =	simm.s32 $0xC00  }
0xf: {  	s16 =	simm.s32 $0x800;
	s26 =	simm.s32 $0xD00;
	[dreg:$0x12] =	wrdreg s21  }
0x10: {  	s14 =	simm.s32 $0x1F00;
	s8 =	sshrl.u32 s1, $0x3;
	[dreg:$0x13] =	wrdreg s23  }
0x11: {  	s11 =	sadd.s32 s1, s7;
	s18 =	sadd.s32 s1, s10;
	[dreg:$0x15] =	wrdreg s25  }
0x12: {  	s20 =	sshrl.u32 s12, $0x1;
	s1 =	sadd.s32 s1, s2;
	[dreg:$0x16] =	wrdreg s26  }
0x13: {  	s21 =	simm.s32 $0x2800;
	[dreg:$0x1f] =	wrdreg s14;
	s26 =	simm.s32 $0x0  }
0x14: {  	s23 =	simm.s32 $0x3800;
	s17 =	sadd.s32 s9, s11;
	[smem:$0x7FB] =	sst s26  }
0x15: {  	s19 =	sadd.s32 s9, s18;
	s9 =	ssub.s32 s12, s20;
	[dreg:$0x3] =	wrdreg s17  }
0x16: {  	s12 =	sshll.u32 s13, $0x6;
	s13 =	simm.s32 $0x1100;
	[dreg:$0x4] =	wrdreg s19  }
0x17: {  	s8 =	sadd.s32 s8, s0;
	s20 =	simm.s32 $0x1700;
	[dreg:$0xb] =	wrdreg s13  }
0x18: {  	s11 =	sor.u32 s5, s24;
	s24 =	simm.s32 $0xB00;
	[dreg:$0x11] =	wrdreg s20  }
0x19: {  	s0 =	sadd.s32 s6, s0;
	s6 =	simm.s32 $0x1900;
	[dreg:$0x14] =	wrdreg s24  }
0x1a: {  	s25 =	simm.s32 $0x4800;
	s8 =	sadd.s32 $0x19200, s8;
	[dreg:$0x19] =	wrdreg s6  }
0x1b: {  	s14 =	simm.s32 $0x2;
	s17 =	simm.s32 $0x1500;
	[smem:$0x7F6] =	sst s8  }
0x1c: {  	s5 =	smul.u32 $0x18800, s5;
	s19 =	simm.s32 $0x1600;
	[dreg:$0xf] =	wrdreg s17  }
0x1d: {  	s11 =	smul.u32 $0x6200, s11;
	s22 =	smax.u32 s9, $0x1;
	[dreg:$0x10] =	wrdreg s19  }
0x1e: {  	s13 =	sshrl.u32 s1, $0x3;
	s1 =	simm.s32 $0xE00;
	[smem:$0x7FA] =	sst s22  }
0x1f: {  	s12 =	sor.u32 $0x1C07, s12;
	s9 =	simm.s32 $0x1C00;
	[dreg:$0x17] =	wrdreg s1  }
0x20: {  	s20 =	simm.s32 $0x2000;
	s24 =	simm.s32 $0x4000;
	[dreg:$0x1c] =	wrdreg s9  }
0x21: {  	s6 =	simm.s32 $0x6;
	s8 =	simm.s32 $0x700;
	[smem:$0x7FC] =	sst s12  }
0x22: {  	s0 =	sadd.s32 s5, s0;
	s5 =	simm.s32 $0xF00;
	[smem:$0x7FD] =	sst s13  }
0x23: {  	s19 =	simm.s32 $0x1800;
	s17 =	simm.s32 $0x100;
	[dreg:$0xa] =	wrdreg s8  }
0x24: {  	s22 =	simm.s32 $0x3000;
	s7 =	sadd.s32 s7, s11;
	[dreg:$0x18] =	wrdreg s5  }
0x25: {  	s1 =	simm.s32 $0x6800;
	s18 =	sadd.s32 s10, s11;
	[smem:$0x7F7] =	sst s7  }
0x26: {  	s9 =	simm.s32 $0x4;
	s0 =	sadd.s32 $0x31A00, s0;
	[smem:$0x7F8] =	sst s18  }
0x27: {  	s8 =	simm.s32 $0x1B00;
	s10 =	simm.s32 $0x1D00;
	[smem:$0x7F9] =	sst s0  }
0x28: {  	s11 =	simm.s32 $0x1E00;
	s5 =	simm.s32 $0x7000;
	[dreg:$0x1b] =	wrdreg s8  }
0x29: {  	s18 =	simm.s32 $0x1000;
	s7 =	simm.s32 $0x1A00;
	[dreg:$0x1d] =	wrdreg s10  }
0x2a: {  	[dreg:$0x1e] =	wrdreg s11;
	s0 =	simm.s32 $0x6000;
	s8 =	simm.s32 $0x3  }
0x2b: {  	s10 =	simm.s32 $0x5;
	[dreg:$0x1a] =	wrdreg s7;
	s7 =	simm.s32 $0x7800  }
.LBB2_1:
0x2c: {  	s11 =	sld [smem:$0x7F6];
	_ =	sdelay $0x2  }
0x2d: {  	[spmem:s13], [sflag:s12] =	dma.local [hbm:s11], $0x1880  }
0x2e: {  	_ =	swait.ge [sflag:s15], $0x1880  }
0x2f: {  	[sflag:s15] =	ssyncset.done $0x0  }
0x30: {  	[sflag:s15] =	ssyncadd.s32 $0xFFFFE780  }
0x31: {  	[bflag:$0x0] =	sbarrier.arrive $0xFFFF  }
0x32: {  	s15 =	sld [smem:$0x7F7];
	_ =	sdelay $0x1  }
0x33: {  	s26 =	sld [smem:$0x7F8]  }
0x34: {  	[tilespmem:s3], [sflag:$0x1] =	stream.linear.gather [hbm4b:s15+s3], $0x800, $0x38;
	[tilespmem:$0x16400] =	vst v63  }
0x35: {  	s13 =	simm.s32 $0x1  }
0x36: {  	[tilespmem:s16], [sflag:$0x1] =	stream.linear.gather [hbm4b:s26+s3], $0x800, $0x38;
	[tilespmem:$0x16400] =	vst v63  }
0x37: {  	_ =	swait.ge [sflag:s13], $0x800  }
0x38: {  	[sflag:s13] =	ssyncset.done $0x0  }
0x39: {  	[sflag:s13] =	ssyncadd.s32 $0xFFFFF800  }
0x3a: {  	_ =	swait.ge [sflag:s13], $0x800  }
0x3b: {  	s12 =	rddreg [dreg:$0x3]  }
0x3c: {  	s15 =	rddreg [dreg:$0x4];
	[sflag:s13] =	ssyncset.done $0x0;
	s26 =	sadd.s32 $0x0, s12  }
0x3d: {  	[sflag:s13] =	ssyncadd.s32 $0xFFFFF800;
	s12 =	sadd.s32 $0x0, s15;
	s11 =	sadd.s32 $0x100, s26  }
0x3e: {  	[tilespmem:s18], [sflag:$0x2] =	stream.linear.gather [hbm4b:s11+s3], $0x800, $0x38;
	[tilespmem:$0x16400] =	vst v63  }
0x3f: {  	s15 =	sadd.s32 $0x100, s12  }
0x40: {  	[tilespmem:s19], [sflag:$0x2] =	stream.linear.gather [hbm4b:s15+s3], $0x800, $0x38;
	[tilespmem:$0x16400] =	vst v63  }
0x41: {  	_ = 	snop  }
0x42: {  	[tilespmem:s20], [sflag:$0x3] =	stream.indirect.gather [hbm4b:s4+s17], $0x8, s3, s17, $0xb8;
	[tilespmem:$0x16400] =	vst v63  }
0x43: {  	_ = 	snop  }
0x44: {  	[tilespmem:s21], [sflag:$0x3] =	stream.indirect.gather [hbm4b:s4+s17], $0x8, s17, s17, $0xb8;
	[tilespmem:$0x16400] =	vst v63  }
0x45: {  	s11 =	rddreg [dreg:$0x5]  }
0x46: {  	[tilespmem:s22], [sflag:$0x3] =	stream.indirect.gather [hbm4b:s4+s17], $0x8, s11, s17, $0xb8;
	[tilespmem:$0x16400] =	vst v63  }
0x47: {  	s15 =	rddreg [dreg:$0x6]  }
0x48: {  	[tilespmem:s23], [sflag:$0x3] =	stream.indirect.gather [hbm4b:s4+s17], $0x8, s15, s17, $0xb8;
	[tilespmem:$0x16400] =	vst v63  }
0x49: {  	s13 =	rddreg [dreg:$0x7]  }
0x4a: {  	[tilespmem:s24], [sflag:$0x3] =	stream.indirect.gather [hbm4b:s4+s17], $0x8, s13, s17, $0xb8;
	[tilespmem:$0x16400] =	vst v63  }
0x4b: {  	s15 =	rddreg [dreg:$0x8]  }
0x4c: {  	[tilespmem:s25], [sflag:$0x3] =	stream.indirect.gather [hbm4b:s4+s17], $0x8, s15, s17, $0xb8;
	[tilespmem:$0x16400] =	vst v63  }
0x4d: {  	s13 =	rddreg [dreg:$0x9]  }
0x4e: {  	[tilespmem:s28], [sflag:$0x3] =	stream.indirect.gather [hbm4b:s4+s17], $0x8, s13, s17, $0xb8;
	[tilespmem:$0x16400] =	vst v63  }
0x4f: {  	s15 =	rddreg [dreg:$0xa]  }
0x50: {  	[tilespmem:s29], [sflag:$0x3] =	stream.indirect.gather [hbm4b:s4+s17], $0x8, s15, s17, $0xb8;
	[tilespmem:$0x16400] =	vst v63  }
0x51: {  	_ =	swait.ge [sflag:s14], $0x800  }
0x52: {  	[sflag:s14] =	ssyncset.done $0x0  }
0x53: {  	[sflag:s14] =	ssyncadd.s32 $0xFFFFF800  }
0x54: {  	_ =	swait.ge [sflag:s14], $0x800  }
0x55: {  	[sflag:s14] =	ssyncset.done $0x0  }
0x56: {  	[sflag:s14] =	ssyncadd.s32 $0xFFFFF800  }
0x57: {  	[tilespmem:s0], [sflag:$0x4] =	stream.indirect.gather [hbm4b:s4+s17], $0x8, s18, s17, $0xb8;
	[tilespmem:$0x16400] =	vst v63  }
0x58: {  	s13 =	rddreg [dreg:$0xb]  }
0x59: {  	[tilespmem:s1], [sflag:$0x4] =	stream.indirect.gather [hbm4b:s4+s17], $0x8, s13, s17, $0xb8;
	[tilespmem:$0x16400] =	vst v63  }
0x5a: {  	s15 =	rddreg [dreg:$0xc]  }
0x5b: {  	[tilespmem:s5], [sflag:$0x4] =	stream.indirect.gather [hbm4b:s4+s17], $0x8, s15, s17, $0xb8;
	[tilespmem:$0x16400] =	vst v63  }
0x5c: {  	s18 =	rddreg [dreg:$0xd]  }
0x5d: {  	[tilespmem:s7], [sflag:$0x4] =	stream.indirect.gather [hbm4b:s4+s17], $0x8, s18, s17, $0xb8;
	[tilespmem:$0x16400] =	vst v63  }
0x5e: {  	s14 =	rddreg [dreg:$0xe]  }
0x5f: {  	[tilespmem:s30], [sflag:$0x4] =	stream.indirect.gather [hbm4b:s4+s17], $0x8, s14, s17, $0xb8;
	[tilespmem:$0x16400] =	vst v63  }
0x60: {  	s15 =	rddreg [dreg:$0xf]  }
0x61: {  	[tilespmem:s31], [sflag:$0x4] =	stream.indirect.gather [hbm4b:s4+s17], $0x8, s15, s17, $0xb8;
	[tilespmem:$0x16400] =	vst v63  }
0x62: {  	s18 =	rddreg [dreg:$0x10];
	s15 =	simm.s32 $0x9000  }
0x63: {  	[tilespmem:s15], [sflag:$0x4] =	stream.indirect.gather [hbm4b:s4+s17], $0x8, s18, s17, $0xb8;
	[tilespmem:$0x16400] =	vst v63  }
0x64: {  	s14 =	rddreg [dreg:$0x11];
	s18 =	simm.s32 $0x9800  }
0x65: {  	[tilespmem:s18], [sflag:$0x4] =	stream.indirect.gather [hbm4b:s4+s17], $0x8, s14, s17, $0xb8;
	[tilespmem:$0x16400] =	vst v63  }
0x66: {  	_ =	swait.ge [sflag:s8], $0x800  }
0x67: {  	[sflag:s8] =	ssyncset.done $0x0  }
0x68: {  	[sflag:s8] =	ssyncadd.s32 $0xFFFFF800  }
0x69: {  	_ =	swait.ge [sflag:s8], $0x800  }
0x6a: {  	[sflag:s8] =	ssyncset.done $0x0  }
0x6b: {  	[sflag:s8] =	ssyncadd.s32 $0xFFFFF800  }
0x6c: {  	_ =	swait.ge [sflag:s8], $0x800  }
0x6d: {  	[sflag:s8] =	ssyncset.done $0x0  }
0x6e: {  	[sflag:s8] =	ssyncadd.s32 $0xFFFFF800  }
0x6f: {  	_ =	swait.ge [sflag:s8], $0x800  }
0x70: {  	[sflag:s8] =	ssyncset.done $0x0  }
0x71: {  	[sflag:s8] =	ssyncadd.s32 $0xFFFFF800  }
0x72: {  	_ =	swait.ge [sflag:s8], $0x800  }
0x73: {  	[sflag:s8] =	ssyncset.done $0x0  }
0x74: {  	[sflag:s8] =	ssyncadd.s32 $0xFFFFF800  }
0x75: {  	_ =	swait.ge [sflag:s8], $0x800  }
0x76: {  	[sflag:s8] =	ssyncset.done $0x0  }
0x77: {  	[sflag:s8] =	ssyncadd.s32 $0xFFFFF800  }
0x78: {  	_ =	swait.ge [sflag:s8], $0x800  }
0x79: {  	[sflag:s8] =	ssyncset.done $0x0  }
0x7a: {  	[sflag:s8] =	ssyncadd.s32 $0xFFFFF800  }
0x7b: {  	_ =	swait.ge [sflag:s8], $0x800  }
0x7c: {  	[sflag:s8] =	ssyncset.done $0x0  }
0x7d: {  	[sflag:s8] =	ssyncadd.s32 $0xFFFFF800  }
0x7e: {  	[spmem:s2] =	stream.indirect.scatter.add.f32 [tilespmem:s20], [sflag:$0x5], $0x8, s16, s17, $0xb8;
	[tilespmem:$0x16400] =	vst v63  }
0x7f: {  	s14 =	rddreg [dreg:$0x12]  }
0x80: {  	[spmem:s2] =	stream.indirect.scatter.add.f32 [tilespmem:s21], [sflag:$0x5], $0x8, s14, s17, $0xb8;
	[tilespmem:$0x16400] =	vst v63  }
0x81: {  	s20 =	rddreg [dreg:$0x13]  }
0x82: {  	[spmem:s2] =	stream.indirect.scatter.add.f32 [tilespmem:s22], [sflag:$0x5], $0x8, s20, s17, $0xb8;
	[tilespmem:$0x16400] =	vst v63  }
0x83: {  	s21 =	rddreg [dreg:$0x14]  }
0x84: {  	[spmem:s2] =	stream.indirect.scatter.add.f32 [tilespmem:s23], [sflag:$0x5], $0x8, s21, s17, $0xb8;
	[tilespmem:$0x16400] =	vst v63  }
0x85: {  	s22 =	rddreg [dreg:$0x15]  }
0x86: {  	[spmem:s2] =	stream.indirect.scatter.add.f32 [tilespmem:s24], [sflag:$0x5], $0x8, s22, s17, $0xb8;
	[tilespmem:$0x16400] =	vst v63  }
0x87: {  	s23 =	rddreg [dreg:$0x16]  }
0x88: {  	[spmem:s2] =	stream.indirect.scatter.add.f32 [tilespmem:s25], [sflag:$0x5], $0x8, s23, s17, $0xb8;
	[tilespmem:$0x16400] =	vst v63  }
0x89: {  	s14 =	rddreg [dreg:$0x17]  }
0x8a: {  	[spmem:s2] =	stream.indirect.scatter.add.f32 [tilespmem:s28], [sflag:$0x5], $0x8, s14, s17, $0xb8;
	[tilespmem:$0x16400] =	vst v63  }
0x8b: {  	s20 =	rddreg [dreg:$0x18]  }
0x8c: {  	[spmem:s2] =	stream.indirect.scatter.add.f32 [tilespmem:s29], [sflag:$0x5], $0x8, s20, s17, $0xb8;
	[tilespmem:$0x16400] =	vst v63  }
0x8d: {  	_ =	swait.ge [sflag:s9], $0x800  }
0x8e: {  	[sflag:s9] =	ssyncset.done $0x0  }
0x8f: {  	[sflag:s9] =	ssyncadd.s32 $0xFFFFF800  }
0x90: {  	_ =	swait.ge [sflag:s9], $0x800  }
0x91: {  	[sflag:s9] =	ssyncset.done $0x0  }
0x92: {  	[sflag:s9] =	ssyncadd.s32 $0xFFFFF800  }
0x93: {  	_ =	swait.ge [sflag:s9], $0x800  }
0x94: {  	[sflag:s9] =	ssyncset.done $0x0  }
0x95: {  	[sflag:s9] =	ssyncadd.s32 $0xFFFFF800  }
0x96: {  	_ =	swait.ge [sflag:s9], $0x800  }
0x97: {  	[sflag:s9] =	ssyncset.done $0x0  }
0x98: {  	[sflag:s9] =	ssyncadd.s32 $0xFFFFF800  }
0x99: {  	_ =	swait.ge [sflag:s9], $0x800  }
0x9a: {  	[sflag:s9] =	ssyncset.done $0x0  }
0x9b: {  	[sflag:s9] =	ssyncadd.s32 $0xFFFFF800  }
0x9c: {  	_ =	swait.ge [sflag:s9], $0x800  }
0x9d: {  	[sflag:s9] =	ssyncset.done $0x0  }
0x9e: {  	[sflag:s9] =	ssyncadd.s32 $0xFFFFF800  }
0x9f: {  	_ =	swait.ge [sflag:s9], $0x800  }
0xa0: {  	[sflag:s9] =	ssyncset.done $0x0  }
0xa1: {  	[sflag:s9] =	ssyncadd.s32 $0xFFFFF800  }
0xa2: {  	_ =	swait.ge [sflag:s9], $0x800  }
0xa3: {  	[sflag:s9] =	ssyncset.done $0x0  }
0xa4: {  	[sflag:s9] =	ssyncadd.s32 $0xFFFFF800  }
0xa5: {  	[spmem:s2] =	stream.indirect.scatter.add.f32 [tilespmem:s0], [sflag:$0x6], $0x8, s19, s17, $0xb8;
	[tilespmem:$0x16400] =	vst v63  }
0xa6: {  	s21 =	rddreg [dreg:$0x19]  }
0xa7: {  	[spmem:s2] =	stream.indirect.scatter.add.f32 [tilespmem:s1], [sflag:$0x6], $0x8, s21, s17, $0xb8;
	[tilespmem:$0x16400] =	vst v63  }
0xa8: {  	s22 =	rddreg [dreg:$0x1a]  }
0xa9: {  	[spmem:s2] =	stream.indirect.scatter.add.f32 [tilespmem:s5], [sflag:$0x6], $0x8, s22, s17, $0xb8;
	[tilespmem:$0x16400] =	vst v63  }
0xaa: {  	s23 =	rddreg [dreg:$0x1b]  }
0xab: {  	[spmem:s2] =	stream.indirect.scatter.add.f32 [tilespmem:s7], [sflag:$0x6], $0x8, s23, s17, $0xb8;
	[tilespmem:$0x16400] =	vst v63  }
0xac: {  	s24 =	rddreg [dreg:$0x1c]  }
0xad: {  	[spmem:s2] =	stream.indirect.scatter.add.f32 [tilespmem:s30], [sflag:$0x6], $0x8, s24, s17, $0xb8;
	[tilespmem:$0x16400] =	vst v63  }
0xae: {  	s25 =	rddreg [dreg:$0x1d]  }
0xaf: {  	[spmem:s2] =	stream.indirect.scatter.add.f32 [tilespmem:s31], [sflag:$0x6], $0x8, s25, s17, $0xb8;
	[tilespmem:$0x16400] =	vst v63  }
0xb0: {  	s28 =	rddreg [dreg:$0x1e]  }
0xb1: {  	[spmem:s2] =	stream.indirect.scatter.add.f32 [tilespmem:s15], [sflag:$0x6], $0x8, s28, s17, $0xb8;
	[tilespmem:$0x16400] =	vst v63  }
0xb2: {  	s29 =	rddreg [dreg:$0x1f]  }
0xb3: {  	[spmem:s2] =	stream.indirect.scatter.add.f32 [tilespmem:s18], [sflag:$0x6], $0x8, s29, s17, $0xb8;
	[tilespmem:$0x16400] =	vst v63  }
0xb4: {  	_ =	swait.ge [sflag:s10], $0x800  }
0xb5: {  	[sflag:s10] =	ssyncset.done $0x0  }
0xb6: {  	[sflag:s10] =	ssyncadd.s32 $0xFFFFF800  }
0xb7: {  	_ =	swait.ge [sflag:s10], $0x800  }
0xb8: {  	[sflag:s10] =	ssyncset.done $0x0  }
0xb9: {  	[sflag:s10] =	ssyncadd.s32 $0xFFFFF800  }
0xba: {  	_ =	swait.ge [sflag:s10], $0x800  }
0xbb: {  	[sflag:s10] =	ssyncset.done $0x0  }
0xbc: {  	[sflag:s10] =	ssyncadd.s32 $0xFFFFF800  }
0xbd: {  	_ =	swait.ge [sflag:s10], $0x800  }
0xbe: {  	[sflag:s10] =	ssyncset.done $0x0  }
0xbf: {  	[sflag:s10] =	ssyncadd.s32 $0xFFFFF800  }
0xc0: {  	_ =	swait.ge [sflag:s10], $0x800  }
0xc1: {  	[sflag:s10] =	ssyncset.done $0x0  }
0xc2: {  	[sflag:s10] =	ssyncadd.s32 $0xFFFFF800  }
0xc3: {  	_ =	swait.ge [sflag:s10], $0x800  }
0xc4: {  	[sflag:s10] =	ssyncset.done $0x0  }
0xc5: {  	[sflag:s10] =	ssyncadd.s32 $0xFFFFF800  }
0xc6: {  	_ =	swait.ge [sflag:s10], $0x800  }
0xc7: {  	[sflag:s10] =	ssyncset.done $0x0  }
0xc8: {  	[sflag:s10] =	ssyncadd.s32 $0xFFFFF800  }
0xc9: {  	_ =	swait.ge [sflag:s10], $0x800  }
0xca: {  	[sflag:s10] =	ssyncset.done $0x0  }
0xcb: {  	s30 =	sadd.s32 $0x200, s26;
	[sflag:s10] =	ssyncadd.s32 $0xFFFFF800  }
0xcc: {  	[tilespmem:s3], [sflag:$0x1] =	stream.linear.gather [hbm4b:s30+s3], $0x800, $0x38;
	[tilespmem:$0x16400] =	vst v63  }
0xcd: {  	s31 =	sadd.s32 $0x200, s12  }
0xce: {  	[tilespmem:s16], [sflag:$0x1] =	stream.linear.gather [hbm4b:s31+s3], $0x800, $0x38;
	[tilespmem:$0x16400] =	vst v63  }
0xcf: {  	_ =	swait.ge [sflag:s6], $0x800  }
0xd0: {  	[sflag:s6] =	ssyncset.done $0x0  }
0xd1: {  	[sflag:s6] =	ssyncadd.s32 $0xFFFFF800  }
0xd2: {  	_ =	swait.ge [sflag:s6], $0x800  }
0xd3: {  	[sflag:s6] =	ssyncset.done $0x0  }
0xd4: {  	[sflag:s6] =	ssyncadd.s32 $0xFFFFF800  }
0xd5: {  	_ =	swait.ge [sflag:s6], $0x800  }
0xd6: {  	[sflag:s6] =	ssyncset.done $0x0  }
0xd7: {  	[sflag:s6] =	ssyncadd.s32 $0xFFFFF800  }
0xd8: {  	_ =	swait.ge [sflag:s6], $0x800  }
0xd9: {  	[sflag:s6] =	ssyncset.done $0x0  }
0xda: {  	[sflag:s6] =	ssyncadd.s32 $0xFFFFF800  }
0xdb: {  	_ =	swait.ge [sflag:s6], $0x800  }
0xdc: {  	[sflag:s6] =	ssyncset.done $0x0  }
0xdd: {  	[sflag:s6] =	ssyncadd.s32 $0xFFFFF800  }
0xde: {  	_ =	swait.ge [sflag:s6], $0x800  }
0xdf: {  	[sflag:s6] =	ssyncset.done $0x0  }
0xe0: {  	[sflag:s6] =	ssyncadd.s32 $0xFFFFF800  }
0xe1: {  	_ =	swait.ge [sflag:s6], $0x800  }
0xe2: {  	[sflag:s6] =	ssyncset.done $0x0  }
0xe3: {  	[sflag:s6] =	ssyncadd.s32 $0xFFFFF800  }
0xe4: {  	s19 =	simm.s32 $0x2;
	s12 =	simm.s32 $0x200;
	_ =	swait.ge [sflag:s6], $0x800  }
.LBB2_2:
0xe5: {  	[sflag:s6] =	ssyncset.done $0x0  }
0xe6: {  	s0 =	simm.s32 $0x1;
	[sflag:s6] =	ssyncadd.s32 $0xFFFFF800  }
0xe7: {  	_ =	swait.ge [sflag:s0], $0x800  }
0xe8: {  	[sflag:s0] =	ssyncset.done $0x0  }
0xe9: {  	[sflag:s0] =	ssyncadd.s32 $0xFFFFF800  }
0xea: {  	_ =	swait.ge [sflag:s0], $0x800  }
0xeb: {  	s13 =	smov.u32 s12;
	s5 =	simm.s32 $0x1000;
	s11 =	rddreg [dreg:$0x3]  }
0xec: {  	s15 =	rddreg [dreg:$0x4];
	[sflag:s0] =	ssyncset.done $0x0;
	s11 =	sadd.s32 s13, s11  }
0xed: {  	[sflag:s0] =	ssyncadd.s32 $0xFFFFF800;
	s13 =	sadd.s32 s13, s15;
	s16 =	sadd.s32 $0x100, s11  }
0xee: {  	[tilespmem:s5], [sflag:$0x2] =	stream.linear.gather [hbm4b:s16+s3], $0x800, $0x38;
	[tilespmem:$0x16400] =	vst v63  }
0xef: {  	s25 =	simm.s32 $0x1800;
	s15 =	sadd.s32 $0x100, s13  }
0xf0: {  	[tilespmem:s25], [sflag:$0x2] =	stream.linear.gather [hbm4b:s15+s3], $0x800, $0x38;
	[tilespmem:$0x16400] =	vst v63  }
0xf1: {  	s26 =	simm.s32 $0x2000  }
0xf2: {  	[tilespmem:s26], [sflag:$0x3] =	stream.indirect.gather [hbm4b:s4+s17], $0x8, s3, s17, $0xb8;
	[tilespmem:$0x16400] =	vst v63  }
0xf3: {  	s28 =	simm.s32 $0x2800  }
0xf4: {  	[tilespmem:s28], [sflag:$0x3] =	stream.indirect.gather [hbm4b:s4+s17], $0x8, s17, s17, $0xb8;
	[tilespmem:$0x16400] =	vst v63  }
0xf5: {  	s14 =	simm.s32 $0x3000;
	s31 =	rddreg [dreg:$0x5]  }
0xf6: {  	[tilespmem:s14], [sflag:$0x3] =	stream.indirect.gather [hbm4b:s4+s17], $0x8, s31, s17, $0xb8;
	[tilespmem:$0x16400] =	vst v63  }
0xf7: {  	s24 =	simm.s32 $0x3800;
	s0 =	rddreg [dreg:$0x6]  }
0xf8: {  	[tilespmem:s24], [sflag:$0x3] =	stream.indirect.gather [hbm4b:s4+s17], $0x8, s0, s17, $0xb8;
	[tilespmem:$0x16400] =	vst v63  }
0xf9: {  	s30 =	simm.s32 $0x4000;
	s18 =	rddreg [dreg:$0x7]  }
0xfa: {  	[tilespmem:s30], [sflag:$0x3] =	stream.indirect.gather [hbm4b:s4+s17], $0x8, s18, s17, $0xb8;
	[tilespmem:$0x16400] =	vst v63  }
0xfb: {  	s22 =	simm.s32 $0x4800;
	s1 =	rddreg [dreg:$0x8]  }
0xfc: {  	[tilespmem:s22], [sflag:$0x3] =	stream.indirect.gather [hbm4b:s4+s17], $0x8, s1, s17, $0xb8;
	[tilespmem:$0x16400] =	vst v63  }
0xfd: {  	s3 =	rddreg [dreg:$0x9];
	s0 =	simm.s32 $0x5000  }
0xfe: {  	[tilespmem:s0], [sflag:$0x3] =	stream.indirect.gather [hbm4b:s4+s17], $0x8, s3, s17, $0xb8;
	[tilespmem:$0x16400] =	vst v63  }
0xff: {  	s23 =	simm.s32 $0x5800;
	s7 =	rddreg [dreg:$0xa]  }
0x100: {  	[tilespmem:s23], [sflag:$0x3] =	stream.indirect.gather [hbm4b:s4+s17], $0x8, s7, s17, $0xb8;
	[tilespmem:$0x16400] =	vst v63  }
0x101: {  	_ =	swait.ge [sflag:s19], $0x800  }
0x102: {  	[sflag:s19] =	ssyncset.done $0x0  }
0x103: {  	[sflag:s19] =	ssyncadd.s32 $0xFFFFF800  }
0x104: {  	_ =	swait.ge [sflag:s19], $0x800  }
0x105: {  	[sflag:s19] =	ssyncset.done $0x0  }
0x106: {  	s1 =	simm.s32 $0x6000;
	[sflag:s19] =	ssyncadd.s32 $0xFFFFF800  }
0x107: {  	[tilespmem:s1], [sflag:$0x4] =	stream.indirect.gather [hbm4b:s4+s17], $0x8, s5, s17, $0xb8;
	[tilespmem:$0x16400] =	vst v63  }
0x108: {  	s16 =	rddreg [dreg:$0xb];
	s5 =	simm.s32 $0x6800  }
0x109: {  	[tilespmem:s5], [sflag:$0x4] =	stream.indirect.gather [hbm4b:s4+s17], $0x8, s16, s17, $0xb8;
	[tilespmem:$0x16400] =	vst v63  }
0x10a: {  	s7 =	simm.s32 $0x7000;
	s18 =	rddreg [dreg:$0xc]  }
0x10b: {  	[tilespmem:s7], [sflag:$0x4] =	stream.indirect.gather [hbm4b:s4+s17], $0x8, s18, s17, $0xb8;
	[tilespmem:$0x16400] =	vst v63  }
0x10c: {  	s21 =	simm.s32 $0x7800;
	s20 =	rddreg [dreg:$0xd]  }
0x10d: {  	[tilespmem:s21], [sflag:$0x4] =	stream.indirect.gather [hbm4b:s4+s17], $0x8, s20, s17, $0xb8;
	[tilespmem:$0x16400] =	vst v63  }
0x10e: {  	s3 =	simm.s32 $0x8000;
	s29 =	rddreg [dreg:$0xe]  }
0x10f: {  	[tilespmem:s3], [sflag:$0x4] =	stream.indirect.gather [hbm4b:s4+s17], $0x8, s29, s17, $0xb8;
	[tilespmem:$0x16400] =	vst v63  }
0x110: {  	s31 =	rddreg [dreg:$0xf];
	s29 =	simm.s32 $0x8800  }
0x111: {  	[tilespmem:s29], [sflag:$0x4] =	stream.indirect.gather [hbm4b:s4+s17], $0x8, s31, s17, $0xb8;
	[tilespmem:$0x16400] =	vst v63  }
0x112: {  	s20 =	rddreg [dreg:$0x10];
	s31 =	simm.s32 $0x9000  }
0x113: {  	[tilespmem:s31], [sflag:$0x4] =	stream.indirect.gather [hbm4b:s4+s17], $0x8, s20, s17, $0xb8;
	[tilespmem:$0x16400] =	vst v63  }
0x114: {  	s15 =	rddreg [dreg:$0x11];
	s20 =	simm.s32 $0x9800  }
0x115: {  	[tilespmem:s20], [sflag:$0x4] =	stream.indirect.gather [hbm4b:s4+s17], $0x8, s15, s17, $0xb8;
	[tilespmem:$0x16400] =	vst v63  }
0x116: {  	_ =	swait.ge [sflag:s8], $0x800  }
0x117: {  	[sflag:s8] =	ssyncset.done $0x0  }
0x118: {  	[sflag:s8] =	ssyncadd.s32 $0xFFFFF800  }
0x119: {  	_ =	swait.ge [sflag:s8], $0x800  }
0x11a: {  	[sflag:s8] =	ssyncset.done $0x0  }
0x11b: {  	[sflag:s8] =	ssyncadd.s32 $0xFFFFF800  }
0x11c: {  	_ =	swait.ge [sflag:s8], $0x800  }
0x11d: {  	[sflag:s8] =	ssyncset.done $0x0  }
0x11e: {  	[sflag:s8] =	ssyncadd.s32 $0xFFFFF800  }
0x11f: {  	_ =	swait.ge [sflag:s8], $0x800  }
0x120: {  	[sflag:s8] =	ssyncset.done $0x0  }
0x121: {  	[sflag:s8] =	ssyncadd.s32 $0xFFFFF800  }
0x122: {  	_ =	swait.ge [sflag:s8], $0x800  }
0x123: {  	[sflag:s8] =	ssyncset.done $0x0  }
0x124: {  	[sflag:s8] =	ssyncadd.s32 $0xFFFFF800  }
0x125: {  	_ =	swait.ge [sflag:s8], $0x800  }
0x126: {  	[sflag:s8] =	ssyncset.done $0x0  }
0x127: {  	[sflag:s8] =	ssyncadd.s32 $0xFFFFF800  }
0x128: {  	_ =	swait.ge [sflag:s8], $0x800  }
0x129: {  	[sflag:s8] =	ssyncset.done $0x0  }
0x12a: {  	[sflag:s8] =	ssyncadd.s32 $0xFFFFF800  }
0x12b: {  	_ =	swait.ge [sflag:s8], $0x800  }
0x12c: {  	[sflag:s8] =	ssyncset.done $0x0  }
0x12d: {  	s18 =	simm.s32 $0x800;
	[sflag:s8] =	ssyncadd.s32 $0xFFFFF800  }
0x12e: {  	[spmem:s2] =	stream.indirect.scatter.add.f32 [tilespmem:s26], [sflag:$0x5], $0x8, s18, s17, $0xb8;
	[tilespmem:$0x16400] =	vst v63  }
0x12f: {  	s15 =	rddreg [dreg:$0x12]  }
0x130: {  	[spmem:s2] =	stream.indirect.scatter.add.f32 [tilespmem:s28], [sflag:$0x5], $0x8, s15, s17, $0xb8;
	[tilespmem:$0x16400] =	vst v63  }
0x131: {  	s16 =	rddreg [dreg:$0x13]  }
0x132: {  	[spmem:s2] =	stream.indirect.scatter.add.f32 [tilespmem:s14], [sflag:$0x5], $0x8, s16, s17, $0xb8;
	[tilespmem:$0x16400] =	vst v63  }
0x133: {  	s18 =	rddreg [dreg:$0x14]  }
0x134: {  	[spmem:s2] =	stream.indirect.scatter.add.f32 [tilespmem:s24], [sflag:$0x5], $0x8, s18, s17, $0xb8;
	[tilespmem:$0x16400] =	vst v63  }
0x135: {  	s15 =	rddreg [dreg:$0x15]  }
0x136: {  	[spmem:s2] =	stream.indirect.scatter.add.f32 [tilespmem:s30], [sflag:$0x5], $0x8, s15, s17, $0xb8;
	[tilespmem:$0x16400] =	vst v63  }
0x137: {  	s26 =	rddreg [dreg:$0x16]  }
0x138: {  	[spmem:s2] =	stream.indirect.scatter.add.f32 [tilespmem:s22], [sflag:$0x5], $0x8, s26, s17, $0xb8;
	[tilespmem:$0x16400] =	vst v63  }
0x139: {  	s28 =	rddreg [dreg:$0x17]  }
0x13a: {  	[spmem:s2] =	stream.indirect.scatter.add.f32 [tilespmem:s0], [sflag:$0x5], $0x8, s28, s17, $0xb8;
	[tilespmem:$0x16400] =	vst v63  }
0x13b: {  	s14 =	rddreg [dreg:$0x18]  }
0x13c: {  	[spmem:s2] =	stream.indirect.scatter.add.f32 [tilespmem:s23], [sflag:$0x5], $0x8, s14, s17, $0xb8;
	[tilespmem:$0x16400] =	vst v63  }
0x13d: {  	_ =	swait.ge [sflag:s9], $0x800  }
0x13e: {  	[sflag:s9] =	ssyncset.done $0x0  }
0x13f: {  	[sflag:s9] =	ssyncadd.s32 $0xFFFFF800  }
0x140: {  	_ =	swait.ge [sflag:s9], $0x800  }
0x141: {  	[sflag:s9] =	ssyncset.done $0x0  }
0x142: {  	[sflag:s9] =	ssyncadd.s32 $0xFFFFF800  }
0x143: {  	_ =	swait.ge [sflag:s9], $0x800  }
0x144: {  	[sflag:s9] =	ssyncset.done $0x0  }
0x145: {  	[sflag:s9] =	ssyncadd.s32 $0xFFFFF800  }
0x146: {  	_ =	swait.ge [sflag:s9], $0x800  }
0x147: {  	[sflag:s9] =	ssyncset.done $0x0  }
0x148: {  	[sflag:s9] =	ssyncadd.s32 $0xFFFFF800  }
0x149: {  	_ =	swait.ge [sflag:s9], $0x800  }
0x14a: {  	[sflag:s9] =	ssyncset.done $0x0  }
0x14b: {  	[sflag:s9] =	ssyncadd.s32 $0xFFFFF800  }
0x14c: {  	_ =	swait.ge [sflag:s9], $0x800  }
0x14d: {  	[sflag:s9] =	ssyncset.done $0x0  }
0x14e: {  	[sflag:s9] =	ssyncadd.s32 $0xFFFFF800  }
0x14f: {  	_ =	swait.ge [sflag:s9], $0x800  }
0x150: {  	[sflag:s9] =	ssyncset.done $0x0  }
0x151: {  	[sflag:s9] =	ssyncadd.s32 $0xFFFFF800  }
0x152: {  	_ =	swait.ge [sflag:s9], $0x800  }
0x153: {  	[sflag:s9] =	ssyncset.done $0x0  }
0x154: {  	[sflag:s9] =	ssyncadd.s32 $0xFFFFF800  }
0x155: {  	[spmem:s2] =	stream.indirect.scatter.add.f32 [tilespmem:s1], [sflag:$0x6], $0x8, s25, s17, $0xb8;
	[tilespmem:$0x16400] =	vst v63  }
0x156: {  	s22 =	rddreg [dreg:$0x19]  }
0x157: {  	[spmem:s2] =	stream.indirect.scatter.add.f32 [tilespmem:s5], [sflag:$0x6], $0x8, s22, s17, $0xb8;
	[tilespmem:$0x16400] =	vst v63  }
0x158: {  	s23 =	rddreg [dreg:$0x1a]  }
0x159: {  	[spmem:s2] =	stream.indirect.scatter.add.f32 [tilespmem:s7], [sflag:$0x6], $0x8, s23, s17, $0xb8;
	[tilespmem:$0x16400] =	vst v63  }
0x15a: {  	s24 =	rddreg [dreg:$0x1b]  }
0x15b: {  	[spmem:s2] =	stream.indirect.scatter.add.f32 [tilespmem:s21], [sflag:$0x6], $0x8, s24, s17, $0xb8;
	[tilespmem:$0x16400] =	vst v63  }
0x15c: {  	s25 =	rddreg [dreg:$0x1c]  }
0x15d: {  	[spmem:s2] =	stream.indirect.scatter.add.f32 [tilespmem:s3], [sflag:$0x6], $0x8, s25, s17, $0xb8;
	[tilespmem:$0x16400] =	vst v63  }
0x15e: {  	s26 =	rddreg [dreg:$0x1d]  }
0x15f: {  	[spmem:s2] =	stream.indirect.scatter.add.f32 [tilespmem:s29], [sflag:$0x6], $0x8, s26, s17, $0xb8;
	[tilespmem:$0x16400] =	vst v63  }
0x160: {  	s28 =	rddreg [dreg:$0x1e]  }
0x161: {  	[spmem:s2] =	stream.indirect.scatter.add.f32 [tilespmem:s31], [sflag:$0x6], $0x8, s28, s17, $0xb8;
	[tilespmem:$0x16400] =	vst v63  }
0x162: {  	s30 =	rddreg [dreg:$0x1f]  }
0x163: {  	[spmem:s2] =	stream.indirect.scatter.add.f32 [tilespmem:s20], [sflag:$0x6], $0x8, s30, s17, $0xb8;
	[tilespmem:$0x16400] =	vst v63  }
0x164: {  	_ =	swait.ge [sflag:s10], $0x800  }
0x165: {  	[sflag:s10] =	ssyncset.done $0x0  }
0x166: {  	[sflag:s10] =	ssyncadd.s32 $0xFFFFF800  }
0x167: {  	_ =	swait.ge [sflag:s10], $0x800  }
0x168: {  	[sflag:s10] =	ssyncset.done $0x0  }
0x169: {  	[sflag:s10] =	ssyncadd.s32 $0xFFFFF800  }
0x16a: {  	_ =	swait.ge [sflag:s10], $0x800  }
0x16b: {  	[sflag:s10] =	ssyncset.done $0x0  }
0x16c: {  	[sflag:s10] =	ssyncadd.s32 $0xFFFFF800  }
0x16d: {  	_ =	swait.ge [sflag:s10], $0x800  }
0x16e: {  	[sflag:s10] =	ssyncset.done $0x0  }
0x16f: {  	[sflag:s10] =	ssyncadd.s32 $0xFFFFF800  }
0x170: {  	_ =	swait.ge [sflag:s10], $0x800  }
0x171: {  	[sflag:s10] =	ssyncset.done $0x0  }
0x172: {  	[sflag:s10] =	ssyncadd.s32 $0xFFFFF800  }
0x173: {  	_ =	swait.ge [sflag:s10], $0x800  }
0x174: {  	[sflag:s10] =	ssyncset.done $0x0  }
0x175: {  	[sflag:s10] =	ssyncadd.s32 $0xFFFFF800  }
0x176: {  	_ =	swait.ge [sflag:s10], $0x800  }
0x177: {  	[sflag:s10] =	ssyncset.done $0x0  }
0x178: {  	[sflag:s10] =	ssyncadd.s32 $0xFFFFF800  }
0x179: {  	_ =	swait.ge [sflag:s10], $0x800  }
0x17a: {  	[sflag:s10] =	ssyncset.done $0x0  }
0x17b: {  	s11 =	sadd.s32 $0x200, s11;
	s3 =	simm.s32 $0x0;
	[sflag:s10] =	ssyncadd.s32 $0xFFFFF800  }
0x17c: {  	[tilespmem:s3], [sflag:$0x1] =	stream.linear.gather [hbm4b:s11+s3], $0x800, $0x38;
	[tilespmem:$0x16400] =	vst v63  }
0x17d: {  	s13 =	sadd.s32 $0x200, s13;
	s16 =	simm.s32 $0x800  }
0x17e: {  	[tilespmem:s16], [sflag:$0x1] =	stream.linear.gather [hbm4b:s13+s3], $0x800, $0x38;
	[tilespmem:$0x16400] =	vst v63  }
0x17f: {  	_ =	swait.ge [sflag:s6], $0x800  }
0x180: {  	[sflag:s6] =	ssyncset.done $0x0  }
0x181: {  	[sflag:s6] =	ssyncadd.s32 $0xFFFFF800  }
0x182: {  	_ =	swait.ge [sflag:s6], $0x800  }
0x183: {  	[sflag:s6] =	ssyncset.done $0x0  }
0x184: {  	[sflag:s6] =	ssyncadd.s32 $0xFFFFF800  }
0x185: {  	_ =	swait.ge [sflag:s6], $0x800  }
0x186: {  	[sflag:s6] =	ssyncset.done $0x0  }
0x187: {  	[sflag:s6] =	ssyncadd.s32 $0xFFFFF800  }
0x188: {  	_ =	swait.ge [sflag:s6], $0x800  }
0x189: {  	[sflag:s6] =	ssyncset.done $0x0  }
0x18a: {  	[sflag:s6] =	ssyncadd.s32 $0xFFFFF800  }
0x18b: {  	_ =	swait.ge [sflag:s6], $0x800  }
0x18c: {  	[sflag:s6] =	ssyncset.done $0x0  }
0x18d: {  	[sflag:s6] =	ssyncadd.s32 $0xFFFFF800  }
0x18e: {  	_ =	swait.ge [sflag:s6], $0x800  }
0x18f: {  	p0 =	sne.s32 s12, $0x6000;
	[sflag:s6] =	ssyncset.done $0x0  }
.Ltmp0:
0x190: {  	[sflag:s6] =	ssyncadd.s32 $0xFFFFF800;
	(pc) =	sbr.rel @p0 .LBB2_2-.Ltmp0, $4  }
0x191: {  	_ =	swait.ge [sflag:s6], $0x800  }
0x192: {  	[sflag:s6] =	ssyncset.done $0x0  }
0x193: {  	[sflag:s6] =	ssyncadd.s32 $0xFFFFF800  }
0x194: {  	s12 =	sadd.s32 $0x200, s12;
	_ =	swait.ge [sflag:s6], $0x800  }
0x195: {  	[sflag:s6] =	ssyncset.done $0x0  }
0x196: {  	s0 =	simm.s32 $0x1;
	[sflag:s6] =	ssyncadd.s32 $0xFFFFF800  }
0x197: {  	_ =	swait.ge [sflag:s0], $0x800  }
0x198: {  	[sflag:s0] =	ssyncset.done $0x0  }
0x199: {  	[sflag:s0] =	ssyncadd.s32 $0xFFFFF800  }
0x19a: {  	_ =	swait.ge [sflag:s0], $0x800  }
0x19b: {  	[sflag:s0] =	ssyncset.done $0x0  }
0x19c: {  	[sflag:s0] =	ssyncadd.s32 $0xFFFFF800  }
0x19d: {  	[bflag:$0x0] =	sbarrier.arrive $0xFFFF  }
0x19e: {  	s12 =	sld [smem:$0x7FC]  }
0x19f: {  	s11 =	sld [smem:$0x7F9]  }
0x1a0: {  	s13 =	sld [smem:$0x7FD];
	_ =	sdelay $0x1  }
0x1a1: {  	s15 =	simm.s32 $0x7  }
0x1a2: {  	[hbm:s11], [sflag:s12] =	dma.local [spmem:s13], $0x1880  }
0x1a3: {  	_ =	swait.ge [sflag:s15], $0x1880  }
0x1a4: {  	s25 =	sld [smem:$0x7FB]  }
0x1a5: {  	s26 =	sld [smem:$0x7FA]  }
0x1a6: {  	s18 =	simm.s32 $0x1000;
	s19 =	simm.s32 $0x1800  }
0x1a7: {  	s20 =	simm.s32 $0x2000;
	s21 =	simm.s32 $0x2800;
	s0 =	sadd.s32 $0x1, s25  }
0x1a8: {  	s22 =	simm.s32 $0x3000;
	s23 =	simm.s32 $0x3800;
	p0 =	sne.s32 s0, s26  }
.Ltmp1:
0x1a9: {  	s24 =	simm.s32 $0x4000;
	s28 =	simm.s32 $0x5000;
	(pc) =	sbr.rel @p0 .LBB2_1-.Ltmp1, $4  }
0x1aa: {  	s29 =	simm.s32 $0x5800;
	s1 =	simm.s32 $0x6800;
	s5 =	simm.s32 $0x7000  }
0x1ab: {  	s7 =	simm.s32 $0x7800;
	s30 =	simm.s32 $0x8000;
	[sflag:s15] =	ssyncset.done $0x0  }
0x1ac: {  	s31 =	simm.s32 $0x8800;
	s14 =	simm.s32 $0x2;
	[sflag:s15] =	ssyncadd.s32 $0xFFFFE780  }
0x1ad: {  	s25 =	simm.s32 $0x4800;
	[smem:$0x7FB] =	sst s0;
	s0 =	simm.s32 $0x6000  }
0x1ae: {  	_ =	sfence.sel $0x180000  }
0x1af: {  	[bflag:$0x0] =	sbarrier.arrive $0xFFFF  }
0x1b0: {  	_ =	strace $0x90000047  }
0x1b1: {  	s0 =	stileid.u32;
	[bflag:$0x2] =	sbarrier.arrive $0xFFFF  }
0x1b2: {  	p0 =	sne.s32 s0, $0x0;
	s0 =	rddreg [dreg:$0x2]  }
0x1b3: {  	s0 =	sadd.s32 @!p0 $0x100000, s0  }
0x1b4: {  	[sflag:s0] =	ssyncadd.tile.s32 @!p0 $0x1;
	_ =	shalt  }
.Lfunc_end2:
_tile_overlayer_lowered:
.L_overlay_start_2:
0x1b5: {  	(tag) =	ssettag $0x2  }
0x1b6: {  	s0 =	rddreg [dreg:$0x0];
	s2 =	stileid.u32  }
0x1b7: {  	s1 =	rddreg [dreg:$0x1];
	p0 =	sne.s32 s2, $0x0  }
0x1b8: {  	s3 =	rddreg [dreg:$0x2];
	[bflag:$0x3] =	sbarrier.arrive $0xFFFF;
	s2 =	simm.s32 @!p0 $0x1C07  }
0x1b9: {  	[timem:s3], [sflag:s2] =	dma.local @!p0 [hbm:s0], s1  }
0x1ba: {  	s0 =	simm.s32 @!p0 $0x7  }
0x1bb: {  	_ =	swait.ge @!p0 [sflag:s0], s1  }
0x1bc: {  	s1 =	ssub.s32 @!p0 $0x0, s1;
	[sflag:s0] =	ssyncset.done @!p0 $0x0  }
0x1bd: {  	[sflag:s0] =	ssyncadd.s32 @!p0 s1  }
0x1be: {  	[bflag:$0x3] =	sbarrier.arrive $0xFFFF  }
0x1bf: {  	_ =	shalt  }

</sc_bundles>
